<compile_context>
chip_gen: v7x
topology: tpu7x:2x2x1
jax: 0.10.2.dev20260603
libtpu: 0.0.44.dev20260713+nightly
codegen_flags: <defaults>
</compile_context>

<pallas_src>
import functools

import jax
import jax.numpy as jnp
from jax import lax
from jax.experimental import pallas as pl
from jax.experimental.pallas import tpu as pltpu
from jax.experimental.pallas import tpu_sc as plsc

E = 16
TOP_K = 2
CONF_THRESH = 0.7
TILE = 1024

NUM_CORES = 2
NUM_SUBCORES = 16
NUM_WORKERS = NUM_CORES * NUM_SUBCORES
LANES = 16


def _probs_body(x_ref, w_ref, probs_ref):
    logits = jnp.dot(x_ref[...], w_ref[...], preferred_element_type=jnp.float32)
    lt = logits.T
    m = jnp.max(lt, axis=0, keepdims=True)
    e = jnp.exp(lt - m)
    z = jnp.sum(e, axis=0, keepdims=True)
    probs_ref[...] = e / z


def _tc_probs(x2, W_g):
    N, D = x2.shape
    grid = (N // TILE,)
    return pl.pallas_call(
        _probs_body,
        grid=grid,
        in_specs=[
            pl.BlockSpec((TILE, D), lambda i: (i, 0)),
            pl.BlockSpec((D, E), lambda i: (0, 0)),
        ],
        out_specs=pl.BlockSpec((E, TILE), lambda i: (0, i)),
        out_shape=jax.ShapeDtypeStruct((E, N), jnp.float32),
    )(x2, W_g)


def _sc_topk_mask(probs_t):
    _, N = probs_t.shape
    per_w = N // NUM_WORKERS
    groups = per_w // LANES
    mesh = plsc.VectorSubcoreMesh(core_axis_name="c", subcore_axis_name="s")

    @functools.partial(
        pl.kernel,
        out_type=[
            jax.ShapeDtypeStruct((N,), jnp.float32),
            jax.ShapeDtypeStruct((N,), jnp.float32),
            jax.ShapeDtypeStruct((N,), jnp.int32),
            jax.ShapeDtypeStruct((N,), jnp.int32),
        ],
        mesh=mesh,
        scratch_types=[
            pltpu.VMEM((E, per_w), jnp.float32),
            pltpu.VMEM((per_w,), jnp.float32),
            pltpu.VMEM((per_w,), jnp.float32),
            pltpu.VMEM((per_w,), jnp.int32),
            pltpu.VMEM((per_w,), jnp.int32),
        ],
    )
    def sc_kernel(p_hbm, w1_hbm, w2_hbm, i1_hbm, i2_hbm,
                  p_v, w1_v, w2_v, i1_v, i2_v):
        wid = lax.axis_index("s") * NUM_CORES + lax.axis_index("c")
        base = wid * per_w
        pltpu.sync_copy(p_hbm.at[:, pl.ds(base, per_w)], p_v)

        neg1f = jnp.full((LANES,), -1.0, jnp.float32)
        neg1i = jnp.full((LANES,), -1, jnp.int32)
        bigi = jnp.full((LANES,), E, jnp.int32)
        thresh = jnp.full((LANES,), CONF_THRESH, jnp.float32)

        def group(g, carry):
            off = g * LANES
            p = [p_v[e, pl.ds(off, LANES)] for e in range(E)]
            m1 = p[0]
            for e in range(1, E):
                m1 = jnp.maximum(m1, p[e])
            i1 = bigi
            for e in range(E):
                e_s = jnp.full((LANES,), e, jnp.int32)
                i1 = jnp.minimum(i1, jnp.where(p[e] == m1, e_s, bigi))
            m2 = neg1f
            for e in range(E):
                e_s = jnp.full((LANES,), e, jnp.int32)
                m2 = jnp.maximum(m2, jnp.where(e_s == i1, neg1f, p[e]))
            i2 = bigi
            for e in range(E):
                e_s = jnp.full((LANES,), e, jnp.int32)
                hit = jnp.logical_and(p[e] == m2, e_s != i1)
                i2 = jnp.minimum(i2, jnp.where(hit, e_s, bigi))
            keep = m1 >= thresh
            i1o = jnp.where(keep, i1, neg1i)
            i2o = jnp.where(keep, i2, neg1i)
            w1_v[pl.ds(off, LANES)] = m1
            w2_v[pl.ds(off, LANES)] = m2
            i1_v[pl.ds(off, LANES)] = i1o
            i2_v[pl.ds(off, LANES)] = i2o
            return carry

        lax.fori_loop(0, groups, group, 0)
        pltpu.sync_copy(w1_v, w1_hbm.at[pl.ds(base, per_w)])
        pltpu.sync_copy(w2_v, w2_hbm.at[pl.ds(base, per_w)])
        pltpu.sync_copy(i1_v, i1_hbm.at[pl.ds(base, per_w)])
        pltpu.sync_copy(i2_v, i2_hbm.at[pl.ds(base, per_w)])

    return sc_kernel(probs_t)


NUM_CHUNKS = 2


def kernel(x, W_g):
    B, S, D = x.shape
    N = B * S
    x2 = x.reshape(N, D)
    cn = N // NUM_CHUNKS
    parts = []
    for c in range(NUM_CHUNKS):
        probs_t = _tc_probs(x2[c * cn:(c + 1) * cn], W_g)
        parts.append(_sc_topk_mask(probs_t))
    w1, w2, i1, i2 = (jnp.concatenate([p[j] for p in parts]) for j in range(4))
    wts = jnp.stack([w1, w2], axis=-1).reshape(B, S, TOP_K)
    idx = jnp.stack([i1, i2], axis=-1).reshape(B, S, TOP_K)
    return wts, idx

# --- scband reference (transcript-rebuilt; emitter-appended) ---
"""Pipeline reference for scband-your-router-middleware-34059090657512 (READ-ONLY COPY).

The authoritative reference and input builder live on the scoring server;
editing this copy changes nothing except your own understanding.
"""

import jax, jax.numpy as jnp
import numpy as np

B, S, D = 2, 4096, 2048
E = 16
TOP_K = 2
CONF_THRESH = 0.7


def setup_inputs(seed: int = 0) -> dict:
    key = jax.random.key(seed)
    kx, kw = jax.random.split(key)
    x = jax.random.normal(kx, (B, S, D), dtype=jnp.float32)
    # learned gate weight of the base top-k softmax router
    W_g = jax.random.normal(kw, (D, E), dtype=jnp.float32) * (1.0 / np.sqrt(D))
    return {"x": x, "W_g": W_g}


def reference(x, W_g):
    # ---- base_router: standard top-k softmax router ----
    logits = jnp.einsum("bsd,de->bse", x, W_g)
    probs = jax.nn.softmax(logits, axis=-1)
    weights, indices = jax.lax.top_k(probs, TOP_K)  # [B,S,K] float, [B,S,K] int
    # ---- middleware: confidence-based masking ----
    confidence = jnp.max(weights, axis=-1)          # [B,S]
    mask = confidence < CONF_THRESH                  # [B,S]
    indices = jnp.where(mask[..., None], -1, indices)
    # ---- semantic confidence metric (side effect in torch; computed faithfully) ----
    xm = x.mean(axis=1)                              # [B,D]
    xr = jnp.roll(xm, 1, axis=0)                     # [B,D]
    eps = 1e-8
    cos = jnp.sum(xm * xr, axis=-1) / (
        jnp.maximum(jnp.linalg.norm(xm, axis=-1), eps)
        * jnp.maximum(jnp.linalg.norm(xr, axis=-1), eps)
    )
    semantic_conf = cos.mean()  # logged to metrics in torch; not part of returned output
    del semantic_conf
    return (weights, indices)

if __name__ == "__main__":
    import jax
    _d = setup_inputs()
    print(jax.jit(kernel)(*tuple(_d.values())))

</pallas_src>

<mosaic_0001>
#map = affine_map<(d0, d1) -> (0, 0)>
#map1 = affine_map<(d0, d1) -> (0)>
module attributes {stable_mosaic.version = 14 : i64} {
  func.func @sc_kernel(%arg0: i32, %arg1: i32, %arg2: memref<16x4096xf32, #tpu.memory_space<hbm>>, %arg3: memref<4096xf32, #tpu.memory_space<hbm>>, %arg4: memref<4096xf32, #tpu.memory_space<hbm>>, %arg5: memref<4096xi32, #tpu.memory_space<hbm>>, %arg6: memref<4096xi32, #tpu.memory_space<hbm>>, %arg7: memref<16x128xf32, #tpu.memory_space<vmem>>, %arg8: memref<128xf32, #tpu.memory_space<vmem>>, %arg9: memref<128xf32, #tpu.memory_space<vmem>>, %arg10: memref<128xi32, #tpu.memory_space<vmem>>, %arg11: memref<128xi32, #tpu.memory_space<vmem>>) attributes {dimension_semantics = [#tpu.dimension_semantics<core_parallel>, #tpu.dimension_semantics<subcore_parallel>], iteration_bounds = array<i64: 2, 16>, scalar_prefetch = 0 : i64, scratch_operands = 5 : i64, tpu.core_type = #tpu.core_type<sc_vector_subcore>, window_params = [{transform_indices = #map}, {transform_indices = #map1}, {transform_indices = #map1}, {transform_indices = #map1}, {transform_indices = #map1}]} {
    %mul3A = arith.constant 2 : i32
    %mul3A_0 = arith.muli %arg1, %mul3A : i32
    %add3A = arith.addi %mul3A_0, %arg0 : i32
    %mul3A_1 = arith.constant 128 : i32
    %mul3A_2 = arith.muli %add3A, %mul3A_1 : i32
    "tpu.region"() ({
      %run_scoped3A = tpu.sem_alloc : memref<!tpu.dma_semaphore, #tpu.memory_space<semaphore_mem>>
      %dma_start3A = arith.constant 0 : i32
      %dma_start3A_15 = tpu.memref_slice %arg2[%dma_start3A, %mul3A_2] : memref<16x4096xf32, #tpu.memory_space<hbm>> -> memref<16x128xf32, #tpu.memory_space<hbm>>
      %dma_start3A_16 = arith.constant 0 : i32
      %dma_start3A_17 = tpu.memref_slice %arg2[%dma_start3A_16, %mul3A_2] : memref<16x4096xf32, #tpu.memory_space<hbm>> -> memref<16x128xf32, #tpu.memory_space<hbm>>
      tpu.enqueue_dma source(%dma_start3A_17 : memref<16x128xf32, #tpu.memory_space<hbm>>) target(%arg7 : memref<16x128xf32, #tpu.memory_space<vmem>>) target_semaphore(%run_scoped3A : memref<!tpu.dma_semaphore, #tpu.memory_space<semaphore_mem>>)
      %dma_wait3A = arith.constant 0 : i32
      %dma_wait3A_18 = tpu.memref_slice %arg2[%dma_wait3A, %mul3A_2] : memref<16x4096xf32, #tpu.memory_space<hbm>> -> memref<16x128xf32, #tpu.memory_space<hbm>>
      %dma_wait3A_19 = arith.constant 0 : i32
      %dma_wait3A_20 = tpu.memref_slice %arg2[%dma_wait3A_19, %mul3A_2] : memref<16x4096xf32, #tpu.memory_space<hbm>> -> memref<16x128xf32, #tpu.memory_space<hbm>>
      tpu.wait_dma2 semaphore(%run_scoped3A : memref<!tpu.dma_semaphore, #tpu.memory_space<semaphore_mem>>) src(%dma_wait3A_20 : memref<16x128xf32, #tpu.memory_space<hbm>>) dst(%arg7 : memref<16x128xf32, #tpu.memory_space<vmem>>)
      tpu.yield
    }) : () -> ()
    %broadcast_in_dim3A = arith.constant -1.000000e+00 : f32
    %broadcast_in_dim3A_3 = vector.broadcast %broadcast_in_dim3A : f32 to vector<16xf32>
    %broadcast_in_dim3A_4 = arith.constant -1 : i32
    %broadcast_in_dim3A_5 = vector.broadcast %broadcast_in_dim3A_4 : i32 to vector<16xi32>
    %broadcast_in_dim3A_6 = arith.constant 16 : i32
    %broadcast_in_dim3A_7 = vector.broadcast %broadcast_in_dim3A_6 : i32 to vector<16xi32>
    %broadcast_in_dim3A_8 = arith.constant 0.699999988 : f32
    %broadcast_in_dim3A_9 = vector.broadcast %broadcast_in_dim3A_8 : f32 to vector<16xf32>
    %scan3A = arith.constant 0 : i32
    %scan3A_10 = arith.constant 0 : i32
    %scan3A_11 = arith.constant 8 : i32
    %scan3A_12 = arith.addi %scan3A_10, %scan3A_11 : i32
    %scan3A_13 = arith.constant 1 : i32
    scf.for %scan3A_15 = %scan3A_10 to %scan3A_12 step %scan3A_13  : i32 {
      %mul3A_16 = arith.constant 16 : i32
      %mul3A_17 = arith.muli %scan3A_15, %mul3A_16 : i32
      %get3A = arith.constant 0 : i32
      %get3A_18 = arith.index_cast %get3A : i32 to index
      %get3A_19 = arith.index_cast %mul3A_17 : i32 to index
      %get3A_20 = tpu.vector_load %arg7[%get3A_18, %get3A_19] {strides = array<i32>} : memref<16x128xf32, #tpu.memory_space<vmem>>, vector<1x16xf32>,
      %get3A_21 = vector.shape_cast %get3A_20 : vector<1x16xf32> to vector<16xf32>
      %get3A_22 = arith.constant 1 : i32
      %get3A_23 = arith.index_cast %get3A_22 : i32 to index
      %get3A_24 = arith.index_cast %mul3A_17 : i32 to index
      %get3A_25 = tpu.vector_load %arg7[%get3A_23, %get3A_24] {strides = array<i32>} : memref<16x128xf32, #tpu.memory_space<vmem>>, vector<1x16xf32>,
      %get3A_26 = vector.shape_cast %get3A_25 : vector<1x16xf32> to vector<16xf32>
      %get3A_27 = arith.constant 2 : i32
      %get3A_28 = arith.index_cast %get3A_27 : i32 to index
      %get3A_29 = arith.index_cast %mul3A_17 : i32 to index
      %get3A_30 = tpu.vector_load %arg7[%get3A_28, %get3A_29] {strides = array<i32>} : memref<16x128xf32, #tpu.memory_space<vmem>>, vector<1x16xf32>,
      %get3A_31 = vector.shape_cast %get3A_30 : vector<1x16xf32> to vector<16xf32>
      %get3A_32 = arith.constant 3 : i32
      %get3A_33 = arith.index_cast %get3A_32 : i32 to index
      %get3A_34 = arith.index_cast %mul3A_17 : i32 to index
      %get3A_35 = tpu.vector_load %arg7[%get3A_33, %get3A_34] {strides = array<i32>} : memref<16x128xf32, #tpu.memory_space<vmem>>, vector<1x16xf32>,
      %get3A_36 = vector.shape_cast %get3A_35 : vector<1x16xf32> to vector<16xf32>
      %get3A_37 = arith.constant 4 : i32
      %get3A_38 = arith.index_cast %get3A_37 : i32 to index
      %get3A_39 = arith.index_cast %mul3A_17 : i32 to index
      %get3A_40 = tpu.vector_load %arg7[%get3A_38, %get3A_39] {strides = array<i32>} : memref<16x128xf32, #tpu.memory_space<vmem>>, vector<1x16xf32>,
      %get3A_41 = vector.shape_cast %get3A_40 : vector<1x16xf32> to vector<16xf32>
      %get3A_42 = arith.constant 5 : i32
      %get3A_43 = arith.index_cast %get3A_42 : i32 to index
      %get3A_44 = arith.index_cast %mul3A_17 : i32 to index
      %get3A_45 = tpu.vector_load %arg7[%get3A_43, %get3A_44] {strides = array<i32>} : memref<16x128xf32, #tpu.memory_space<vmem>>, vector<1x16xf32>,
      %get3A_46 = vector.shape_cast %get3A_45 : vector<1x16xf32> to vector<16xf32>
      %get3A_47 = arith.constant 6 : i32
      %get3A_48 = arith.index_cast %get3A_47 : i32 to index
      %get3A_49 = arith.index_cast %mul3A_17 : i32 to index
      %get3A_50 = tpu.vector_load %arg7[%get3A_48, %get3A_49] {strides = array<i32>} : memref<16x128xf32, #tpu.memory_space<vmem>>, vector<1x16xf32>,
      %get3A_51 = vector.shape_cast %get3A_50 : vector<1x16xf32> to vector<16xf32>
      %get3A_52 = arith.constant 7 : i32
      %get3A_53 = arith.index_cast %get3A_52 : i32 to index
      %get3A_54 = arith.index_cast %mul3A_17 : i32 to index
      %get3A_55 = tpu.vector_load %arg7[%get3A_53, %get3A_54] {strides = array<i32>} : memref<16x128xf32, #tpu.memory_space<vmem>>, vector<1x16xf32>,
      %get3A_56 = vector.shape_cast %get3A_55 : vector<1x16xf32> to vector<16xf32>
      %get3A_57 = arith.constant 8 : i32
      %get3A_58 = arith.index_cast %get3A_57 : i32 to index
      %get3A_59 = arith.index_cast %mul3A_17 : i32 to index
      %get3A_60 = tpu.vector_load %arg7[%get3A_58, %get3A_59] {strides = array<i32>} : memref<16x128xf32, #tpu.memory_space<vmem>>, vector<1x16xf32>,
      %get3A_61 = vector.shape_cast %get3A_60 : vector<1x16xf32> to vector<16xf32>
      %get3A_62 = arith.constant 9 : i32
      %get3A_63 = arith.index_cast %get3A_62 : i32 to index
      %get3A_64 = arith.index_cast %mul3A_17 : i32 to index
      %get3A_65 = tpu.vector_load %arg7[%get3A_63, %get3A_64] {strides = array<i32>} : memref<16x128xf32, #tpu.memory_space<vmem>>, vector<1x16xf32>,
      %get3A_66 = vector.shape_cast %get3A_65 : vector<1x16xf32> to vector<16xf32>
      %get3A_67 = arith.constant 10 : i32
      %get3A_68 = arith.index_cast %get3A_67 : i32 to index
      %get3A_69 = arith.index_cast %mul3A_17 : i32 to index
      %get3A_70 = tpu.vector_load %arg7[%get3A_68, %get3A_69] {strides = array<i32>} : memref<16x128xf32, #tpu.memory_space<vmem>>, vector<1x16xf32>,
      %get3A_71 = vector.shape_cast %get3A_70 : vector<1x16xf32> to vector<16xf32>
      %get3A_72 = arith.constant 11 : i32
      %get3A_73 = arith.index_cast %get3A_72 : i32 to index
      %get3A_74 = arith.index_cast %mul3A_17 : i32 to index
      %get3A_75 = tpu.vector_load %arg7[%get3A_73, %get3A_74] {strides = array<i32>} : memref<16x128xf32, #tpu.memory_space<vmem>>, vector<1x16xf32>,
      %get3A_76 = vector.shape_cast %get3A_75 : vector<1x16xf32> to vector<16xf32>
      %get3A_77 = arith.constant 12 : i32
      %get3A_78 = arith.index_cast %get3A_77 : i32 to index
      %get3A_79 = arith.index_cast %mul3A_17 : i32 to index
      %get3A_80 = tpu.vector_load %arg7[%get3A_78, %get3A_79] {strides = array<i32>} : memref<16x128xf32, #tpu.memory_space<vmem>>, vector<1x16xf32>,
      %get3A_81 = vector.shape_cast %get3A_80 : vector<1x16xf32> to vector<16xf32>
      %get3A_82 = arith.constant 13 : i32
      %get3A_83 = arith.index_cast %get3A_82 : i32 to index
      %get3A_84 = arith.index_cast %mul3A_17 : i32 to index
      %get3A_85 = tpu.vector_load %arg7[%get3A_83, %get3A_84] {strides = array<i32>} : memref<16x128xf32, #tpu.memory_space<vmem>>, vector<1x16xf32>,
      %get3A_86 = vector.shape_cast %get3A_85 : vector<1x16xf32> to vector<16xf32>
      %get3A_87 = arith.constant 14 : i32
      %get3A_88 = arith.index_cast %get3A_87 : i32 to index
      %get3A_89 = arith.index_cast %mul3A_17 : i32 to index
      %get3A_90 = tpu.vector_load %arg7[%get3A_88, %get3A_89] {strides = array<i32>} : memref<16x128xf32, #tpu.memory_space<vmem>>, vector<1x16xf32>,
      %get3A_91 = vector.shape_cast %get3A_90 : vector<1x16xf32> to vector<16xf32>
      %get3A_92 = arith.constant 15 : i32
      %get3A_93 = arith.index_cast %get3A_92 : i32 to index
      %get3A_94 = arith.index_cast %mul3A_17 : i32 to index
      %get3A_95 = tpu.vector_load %arg7[%get3A_93, %get3A_94] {strides = array<i32>} : memref<16x128xf32, #tpu.memory_space<vmem>>, vector<1x16xf32>,
      %get3A_96 = vector.shape_cast %get3A_95 : vector<1x16xf32> to vector<16xf32>
      %max3A = arith.maximumf %get3A_21, %get3A_26 : vector<16xf32>
      %max3A_97 = arith.maximumf %max3A, %get3A_31 : vector<16xf32>
      %max3A_98 = arith.maximumf %max3A_97, %get3A_36 : vector<16xf32>
      %max3A_99 = arith.maximumf %max3A_98, %get3A_41 : vector<16xf32>
      %max3A_100 = arith.maximumf %max3A_99, %get3A_46 : vector<16xf32>
      %max3A_101 = arith.maximumf %max3A_100, %get3A_51 : vector<16xf32>
      %max3A_102 = arith.maximumf %max3A_101, %get3A_56 : vector<16xf32>
      %max3A_103 = arith.maximumf %max3A_102, %get3A_61 : vector<16xf32>
      %max3A_104 = arith.maximumf %max3A_103, %get3A_66 : vector<16xf32>
      %max3A_105 = arith.maximumf %max3A_104, %get3A_71 : vector<16xf32>
      %max3A_106 = arith.maximumf %max3A_105, %get3A_76 : vector<16xf32>
      %max3A_107 = arith.maximumf %max3A_106, %get3A_81 : vector<16xf32>
      %max3A_108 = arith.maximumf %max3A_107, %get3A_86 : vector<16xf32>
      %max3A_109 = arith.maximumf %max3A_108, %get3A_91 : vector<16xf32>
      %max3A_110 = arith.maximumf %max3A_109, %get3A_96 : vector<16xf32>
      %broadcast_in_dim3A_111 = arith.constant 0 : i32
      %broadcast_in_dim3A_112 = vector.broadcast %broadcast_in_dim3A_111 : i32 to vector<16xi32>
      %eq3A = arith.cmpf oeq, %get3A_21, %max3A_110 : vector<16xf32>
      %select_n3A = arith.select %eq3A, %broadcast_in_dim3A_112, %broadcast_in_dim3A_7 : vector<16xi1>, vector<16xi32>
      %min3A = arith.minsi %broadcast_in_dim3A_7, %select_n3A : vector<16xi32>
      %broadcast_in_dim3A_113 = arith.constant 1 : i32
      %broadcast_in_dim3A_114 = vector.broadcast %broadcast_in_dim3A_113 : i32 to vector<16xi32>
      %eq3A_115 = arith.cmpf oeq, %get3A_26, %max3A_110 : vector<16xf32>
      %select_n3A_116 = arith.select %eq3A_115, %broadcast_in_dim3A_114, %broadcast_in_dim3A_7 : vector<16xi1>, vector<16xi32>
      %min3A_117 = arith.minsi %min3A, %select_n3A_116 : vector<16xi32>
      %broadcast_in_dim3A_118 = arith.constant 2 : i32
      %broadcast_in_dim3A_119 = vector.broadcast %broadcast_in_dim3A_118 : i32 to vector<16xi32>
      %eq3A_120 = arith.cmpf oeq, %get3A_31, %max3A_110 : vector<16xf32>
      %select_n3A_121 = arith.select %eq3A_120, %broadcast_in_dim3A_119, %broadcast_in_dim3A_7 : vector<16xi1>, vector<16xi32>
      %min3A_122 = arith.minsi %min3A_117, %select_n3A_121 : vector<16xi32>
      %broadcast_in_dim3A_123 = arith.constant 3 : i32
      %broadcast_in_dim3A_124 = vector.broadcast %broadcast_in_dim3A_123 : i32 to vector<16xi32>
      %eq3A_125 = arith.cmpf oeq, %get3A_36, %max3A_110 : vector<16xf32>
      %select_n3A_126 = arith.select %eq3A_125, %broadcast_in_dim3A_124, %broadcast_in_dim3A_7 : vector<16xi1>, vector<16xi32>
      %min3A_127 = arith.minsi %min3A_122, %select_n3A_126 : vector<16xi32>
      %broadcast_in_dim3A_128 = arith.constant 4 : i32
      %broadcast_in_dim3A_129 = vector.broadcast %broadcast_in_dim3A_128 : i32 to vector<16xi32>
      %eq3A_130 = arith.cmpf oeq, %get3A_41, %max3A_110 : vector<16xf32>
      %select_n3A_131 = arith.select %eq3A_130, %broadcast_in_dim3A_129, %broadcast_in_dim3A_7 : vector<16xi1>, vector<16xi32>
      %min3A_132 = arith.minsi %min3A_127, %select_n3A_131 : vector<16xi32>
      %broadcast_in_dim3A_133 = arith.constant 5 : i32
      %broadcast_in_dim3A_134 = vector.broadcast %broadcast_in_dim3A_133 : i32 to vector<16xi32>
      %eq3A_135 = arith.cmpf oeq, %get3A_46, %max3A_110 : vector<16xf32>
      %select_n3A_136 = arith.select %eq3A_135, %broadcast_in_dim3A_134, %broadcast_in_dim3A_7 : vector<16xi1>, vector<16xi32>
      %min3A_137 = arith.minsi %min3A_132, %select_n3A_136 : vector<16xi32>
      %broadcast_in_dim3A_138 = arith.constant 6 : i32
      %broadcast_in_dim3A_139 = vector.broadcast %broadcast_in_dim3A_138 : i32 to vector<16xi32>
      %eq3A_140 = arith.cmpf oeq, %get3A_51, %max3A_110 : vector<16xf32>
      %select_n3A_141 = arith.select %eq3A_140, %broadcast_in_dim3A_139, %broadcast_in_dim3A_7 : vector<16xi1>, vector<16xi32>
      %min3A_142 = arith.minsi %min3A_137, %select_n3A_141 : vector<16xi32>
      %broadcast_in_dim3A_143 = arith.constant 7 : i32
      %broadcast_in_dim3A_144 = vector.broadcast %broadcast_in_dim3A_143 : i32 to vector<16xi32>
      %eq3A_145 = arith.cmpf oeq, %get3A_56, %max3A_110 : vector<16xf32>
      %select_n3A_146 = arith.select %eq3A_145, %broadcast_in_dim3A_144, %broadcast_in_dim3A_7 : vector<16xi1>, vector<16xi32>
      %min3A_147 = arith.minsi %min3A_142, %select_n3A_146 : vector<16xi32>
      %broadcast_in_dim3A_148 = arith.constant 8 : i32
      %broadcast_in_dim3A_149 = vector.broadcast %broadcast_in_dim3A_148 : i32 to vector<16xi32>
      %eq3A_150 = arith.cmpf oeq, %get3A_61, %max3A_110 : vector<16xf32>
      %select_n3A_151 = arith.select %eq3A_150, %broadcast_in_dim3A_149, %broadcast_in_dim3A_7 : vector<16xi1>, vector<16xi32>
      %min3A_152 = arith.minsi %min3A_147, %select_n3A_151 : vector<16xi32>
      %broadcast_in_dim3A_153 = arith.constant 9 : i32
      %broadcast_in_dim3A_154 = vector.broadcast %broadcast_in_dim3A_153 : i32 to vector<16xi32>
      %eq3A_155 = arith.cmpf oeq, %get3A_66, %max3A_110 : vector<16xf32>
      %select_n3A_156 = arith.select %eq3A_155, %broadcast_in_dim3A_154, %broadcast_in_dim3A_7 : vector<16xi1>, vector<16xi32>
      %min3A_157 = arith.minsi %min3A_152, %select_n3A_156 : vector<16xi32>
      %broadcast_in_dim3A_158 = arith.constant 10 : i32
      %broadcast_in_dim3A_159 = vector.broadcast %broadcast_in_dim3A_158 : i32 to vector<16xi32>
      %eq3A_160 = arith.cmpf oeq, %get3A_71, %max3A_110 : vector<16xf32>
      %select_n3A_161 = arith.select %eq3A_160, %broadcast_in_dim3A_159, %broadcast_in_dim3A_7 : vector<16xi1>, vector<16xi32>
      %min3A_162 = arith.minsi %min3A_157, %select_n3A_161 : vector<16xi32>
      %broadcast_in_dim3A_163 = arith.constant 11 : i32
      %broadcast_in_dim3A_164 = vector.broadcast %broadcast_in_dim3A_163 : i32 to vector<16xi32>
      %eq3A_165 = arith.cmpf oeq, %get3A_76, %max3A_110 : vector<16xf32>
      %select_n3A_166 = arith.select %eq3A_165, %broadcast_in_dim3A_164, %broadcast_in_dim3A_7 : vector<16xi1>, vector<16xi32>
      %min3A_167 = arith.minsi %min3A_162, %select_n3A_166 : vector<16xi32>
      %broadcast_in_dim3A_168 = arith.constant 12 : i32
      %broadcast_in_dim3A_169 = vector.broadcast %broadcast_in_dim3A_168 : i32 to vector<16xi32>
      %eq3A_170 = arith.cmpf oeq, %get3A_81, %max3A_110 : vector<16xf32>
      %select_n3A_171 = arith.select %eq3A_170, %broadcast_in_dim3A_169, %broadcast_in_dim3A_7 : vector<16xi1>, vector<16xi32>
      %min3A_172 = arith.minsi %min3A_167, %select_n3A_171 : vector<16xi32>
      %broadcast_in_dim3A_173 = arith.constant 13 : i32
      %broadcast_in_dim3A_174 = vector.broadcast %broadcast_in_dim3A_173 : i32 to vector<16xi32>
      %eq3A_175 = arith.cmpf oeq, %get3A_86, %max3A_110 : vector<16xf32>
      %select_n3A_176 = arith.select %eq3A_175, %broadcast_in_dim3A_174, %broadcast_in_dim3A_7 : vector<16xi1>, vector<16xi32>
      %min3A_177 = arith.minsi %min3A_172, %select_n3A_176 : vector<16xi32>
      %broadcast_in_dim3A_178 = arith.constant 14 : i32
      %broadcast_in_dim3A_179 = vector.broadcast %broadcast_in_dim3A_178 : i32 to vector<16xi32>
      %eq3A_180 = arith.cmpf oeq, %get3A_91, %max3A_110 : vector<16xf32>
      %select_n3A_181 = arith.select %eq3A_180, %broadcast_in_dim3A_179, %broadcast_in_dim3A_7 : vector<16xi1>, vector<16xi32>
      %min3A_182 = arith.minsi %min3A_177, %select_n3A_181 : vector<16xi32>
      %broadcast_in_dim3A_183 = arith.constant 15 : i32
      %broadcast_in_dim3A_184 = vector.broadcast %broadcast_in_dim3A_183 : i32 to vector<16xi32>
      %eq3A_185 = arith.cmpf oeq, %get3A_96, %max3A_110 : vector<16xf32>
      %select_n3A_186 = arith.select %eq3A_185, %broadcast_in_dim3A_184, %broadcast_in_dim3A_7 : vector<16xi1>, vector<16xi32>
      %min3A_187 = arith.minsi %min3A_182, %select_n3A_186 : vector<16xi32>
      %broadcast_in_dim3A_188 = arith.constant 0 : i32
      %broadcast_in_dim3A_189 = vector.broadcast %broadcast_in_dim3A_188 : i32 to vector<16xi32>
      %eq3A_190 = arith.cmpi eq, %broadcast_in_dim3A_189, %min3A_187 : vector<16xi32>
      %select_n3A_191 = arith.select %eq3A_190, %broadcast_in_dim3A_3, %get3A_21 : vector<16xi1>, vector<16xf32>
      %max3A_192 = arith.maximumf %broadcast_in_dim3A_3, %select_n3A_191 : vector<16xf32>
      %broadcast_in_dim3A_193 = arith.constant 1 : i32
      %broadcast_in_dim3A_194 = vector.broadcast %broadcast_in_dim3A_193 : i32 to vector<16xi32>
      %eq3A_195 = arith.cmpi eq, %broadcast_in_dim3A_194, %min3A_187 : vector<16xi32>
      %select_n3A_196 = arith.select %eq3A_195, %broadcast_in_dim3A_3, %get3A_26 : vector<16xi1>, vector<16xf32>
      %max3A_197 = arith.maximumf %max3A_192, %select_n3A_196 : vector<16xf32>
      %broadcast_in_dim3A_198 = arith.constant 2 : i32
      %broadcast_in_dim3A_199 = vector.broadcast %broadcast_in_dim3A_198 : i32 to vector<16xi32>
      %eq3A_200 = arith.cmpi eq, %broadcast_in_dim3A_199, %min3A_187 : vector<16xi32>
      %select_n3A_201 = arith.select %eq3A_200, %broadcast_in_dim3A_3, %get3A_31 : vector<16xi1>, vector<16xf32>
      %max3A_202 = arith.maximumf %max3A_197, %select_n3A_201 : vector<16xf32>
      %broadcast_in_dim3A_203 = arith.constant 3 : i32
      %broadcast_in_dim3A_204 = vector.broadcast %broadcast_in_dim3A_203 : i32 to vector<16xi32>
      %eq3A_205 = arith.cmpi eq, %broadcast_in_dim3A_204, %min3A_187 : vector<16xi32>
      %select_n3A_206 = arith.select %eq3A_205, %broadcast_in_dim3A_3, %get3A_36 : vector<16xi1>, vector<16xf32>
      %max3A_207 = arith.maximumf %max3A_202, %select_n3A_206 : vector<16xf32>
      %broadcast_in_dim3A_208 = arith.constant 4 : i32
      %broadcast_in_dim3A_209 = vector.broadcast %broadcast_in_dim3A_208 : i32 to vector<16xi32>
      %eq3A_210 = arith.cmpi eq, %broadcast_in_dim3A_209, %min3A_187 : vector<16xi32>
      %select_n3A_211 = arith.select %eq3A_210, %broadcast_in_dim3A_3, %get3A_41 : vector<16xi1>, vector<16xf32>
      %max3A_212 = arith.maximumf %max3A_207, %select_n3A_211 : vector<16xf32>
      %broadcast_in_dim3A_213 = arith.constant 5 : i32
      %broadcast_in_dim3A_214 = vector.broadcast %broadcast_in_dim3A_213 : i32 to vector<16xi32>
      %eq3A_215 = arith.cmpi eq, %broadcast_in_dim3A_214, %min3A_187 : vector<16xi32>
      %select_n3A_216 = arith.select %eq3A_215, %broadcast_in_dim3A_3, %get3A_46 : vector<16xi1>, vector<16xf32>
      %max3A_217 = arith.maximumf %max3A_212, %select_n3A_216 : vector<16xf32>
      %broadcast_in_dim3A_218 = arith.constant 6 : i32
      %broadcast_in_dim3A_219 = vector.broadcast %broadcast_in_dim3A_218 : i32 to vector<16xi32>
      %eq3A_220 = arith.cmpi eq, %broadcast_in_dim3A_219, %min3A_187 : vector<16xi32>
      %select_n3A_221 = arith.select %eq3A_220, %broadcast_in_dim3A_3, %get3A_51 : vector<16xi1>, vector<16xf32>
      %max3A_222 = arith.maximumf %max3A_217, %select_n3A_221 : vector<16xf32>
      %broadcast_in_dim3A_223 = arith.constant 7 : i32
      %broadcast_in_dim3A_224 = vector.broadcast %broadcast_in_dim3A_223 : i32 to vector<16xi32>
      %eq3A_225 = arith.cmpi eq, %broadcast_in_dim3A_224, %min3A_187 : vector<16xi32>
      %select_n3A_226 = arith.select %eq3A_225, %broadcast_in_dim3A_3, %get3A_56 : vector<16xi1>, vector<16xf32>
      %max3A_227 = arith.maximumf %max3A_222, %select_n3A_226 : vector<16xf32>
      %broadcast_in_dim3A_228 = arith.constant 8 : i32
      %broadcast_in_dim3A_229 = vector.broadcast %broadcast_in_dim3A_228 : i32 to vector<16xi32>
      %eq3A_230 = arith.cmpi eq, %broadcast_in_dim3A_229, %min3A_187 : vector<16xi32>
      %select_n3A_231 = arith.select %eq3A_230, %broadcast_in_dim3A_3, %get3A_61 : vector<16xi1>, vector<16xf32>
      %max3A_232 = arith.maximumf %max3A_227, %select_n3A_231 : vector<16xf32>
      %broadcast_in_dim3A_233 = arith.constant 9 : i32
      %broadcast_in_dim3A_234 = vector.broadcast %broadcast_in_dim3A_233 : i32 to vector<16xi32>
      %eq3A_235 = arith.cmpi eq, %broadcast_in_dim3A_234, %min3A_187 : vector<16xi32>
      %select_n3A_236 = arith.select %eq3A_235, %broadcast_in_dim3A_3, %get3A_66 : vector<16xi1>, vector<16xf32>
      %max3A_237 = arith.maximumf %max3A_232, %select_n3A_236 : vector<16xf32>
      %broadcast_in_dim3A_238 = arith.constant 10 : i32
      %broadcast_in_dim3A_239 = vector.broadcast %broadcast_in_dim3A_238 : i32 to vector<16xi32>
      %eq3A_240 = arith.cmpi eq, %broadcast_in_dim3A_239, %min3A_187 : vector<16xi32>
      %select_n3A_241 = arith.select %eq3A_240, %broadcast_in_dim3A_3, %get3A_71 : vector<16xi1>, vector<16xf32>
      %max3A_242 = arith.maximumf %max3A_237, %select_n3A_241 : vector<16xf32>
      %broadcast_in_dim3A_243 = arith.constant 11 : i32
      %broadcast_in_dim3A_244 = vector.broadcast %broadcast_in_dim3A_243 : i32 to vector<16xi32>
      %eq3A_245 = arith.cmpi eq, %broadcast_in_dim3A_244, %min3A_187 : vector<16xi32>
      %select_n3A_246 = arith.select %eq3A_245, %broadcast_in_dim3A_3, %get3A_76 : vector<16xi1>, vector<16xf32>
      %max3A_247 = arith.maximumf %max3A_242, %select_n3A_246 : vector<16xf32>
      %broadcast_in_dim3A_248 = arith.constant 12 : i32
      %broadcast_in_dim3A_249 = vector.broadcast %broadcast_in_dim3A_248 : i32 to vector<16xi32>
      %eq3A_250 = arith.cmpi eq, %broadcast_in_dim3A_249, %min3A_187 : vector<16xi32>
      %select_n3A_251 = arith.select %eq3A_250, %broadcast_in_dim3A_3, %get3A_81 : vector<16xi1>, vector<16xf32>
      %max3A_252 = arith.maximumf %max3A_247, %select_n3A_251 : vector<16xf32>
      %broadcast_in_dim3A_253 = arith.constant 13 : i32
      %broadcast_in_dim3A_254 = vector.broadcast %broadcast_in_dim3A_253 : i32 to vector<16xi32>
      %eq3A_255 = arith.cmpi eq, %broadcast_in_dim3A_254, %min3A_187 : vector<16xi32>
      %select_n3A_256 = arith.select %eq3A_255, %broadcast_in_dim3A_3, %get3A_86 : vector<16xi1>, vector<16xf32>
      %max3A_257 = arith.maximumf %max3A_252, %select_n3A_256 : vector<16xf32>
      %broadcast_in_dim3A_258 = arith.constant 14 : i32
      %broadcast_in_dim3A_259 = vector.broadcast %broadcast_in_dim3A_258 : i32 to vector<16xi32>
      %eq3A_260 = arith.cmpi eq, %broadcast_in_dim3A_259, %min3A_187 : vector<16xi32>
      %select_n3A_261 = arith.select %eq3A_260, %broadcast_in_dim3A_3, %get3A_91 : vector<16xi1>, vector<16xf32>
      %max3A_262 = arith.maximumf %max3A_257, %select_n3A_261 : vector<16xf32>
      %broadcast_in_dim3A_263 = arith.constant 15 : i32
      %broadcast_in_dim3A_264 = vector.broadcast %broadcast_in_dim3A_263 : i32 to vector<16xi32>
      %eq3A_265 = arith.cmpi eq, %broadcast_in_dim3A_264, %min3A_187 : vector<16xi32>
      %select_n3A_266 = arith.select %eq3A_265, %broadcast_in_dim3A_3, %get3A_96 : vector<16xi1>, vector<16xf32>
      %max3A_267 = arith.maximumf %max3A_262, %select_n3A_266 : vector<16xf32>
      %broadcast_in_dim3A_268 = arith.constant 0 : i32
      %broadcast_in_dim3A_269 = vector.broadcast %broadcast_in_dim3A_268 : i32 to vector<16xi32>
      %eq3A_270 = arith.cmpf oeq, %get3A_21, %max3A_267 : vector<16xf32>
      %ne3A = arith.cmpi ne, %broadcast_in_dim3A_269, %min3A_187 : vector<16xi32>
      %and3A = arith.andi %eq3A_270, %ne3A : vector<16xi1>
      %select_n3A_271 = arith.select %and3A, %broadcast_in_dim3A_269, %broadcast_in_dim3A_7 : vector<16xi1>, vector<16xi32>
      %min3A_272 = arith.minsi %broadcast_in_dim3A_7, %select_n3A_271 : vector<16xi32>
      %broadcast_in_dim3A_273 = arith.constant 1 : i32
      %broadcast_in_dim3A_274 = vector.broadcast %broadcast_in_dim3A_273 : i32 to vector<16xi32>
      %eq3A_275 = arith.cmpf oeq, %get3A_26, %max3A_267 : vector<16xf32>
      %ne3A_276 = arith.cmpi ne, %broadcast_in_dim3A_274, %min3A_187 : vector<16xi32>
      %and3A_277 = arith.andi %eq3A_275, %ne3A_276 : vector<16xi1>
      %select_n3A_278 = arith.select %and3A_277, %broadcast_in_dim3A_274, %broadcast_in_dim3A_7 : vector<16xi1>, vector<16xi32>
      %min3A_279 = arith.minsi %min3A_272, %select_n3A_278 : vector<16xi32>
      %broadcast_in_dim3A_280 = arith.constant 2 : i32
      %broadcast_in_dim3A_281 = vector.broadcast %broadcast_in_dim3A_280 : i32 to vector<16xi32>
      %eq3A_282 = arith.cmpf oeq, %get3A_31, %max3A_267 : vector<16xf32>
      %ne3A_283 = arith.cmpi ne, %broadcast_in_dim3A_281, %min3A_187 : vector<16xi32>
      %and3A_284 = arith.andi %eq3A_282, %ne3A_283 : vector<16xi1>
      %select_n3A_285 = arith.select %and3A_284, %broadcast_in_dim3A_281, %broadcast_in_dim3A_7 : vector<16xi1>, vector<16xi32>
      %min3A_286 = arith.minsi %min3A_279, %select_n3A_285 : vector<16xi32>
      %broadcast_in_dim3A_287 = arith.constant 3 : i32
      %broadcast_in_dim3A_288 = vector.broadcast %broadcast_in_dim3A_287 : i32 to vector<16xi32>
      %eq3A_289 = arith.cmpf oeq, %get3A_36, %max3A_267 : vector<16xf32>
      %ne3A_290 = arith.cmpi ne, %broadcast_in_dim3A_288, %min3A_187 : vector<16xi32>
      %and3A_291 = arith.andi %eq3A_289, %ne3A_290 : vector<16xi1>
      %select_n3A_292 = arith.select %and3A_291, %broadcast_in_dim3A_288, %broadcast_in_dim3A_7 : vector<16xi1>, vector<16xi32>
      %min3A_293 = arith.minsi %min3A_286, %select_n3A_292 : vector<16xi32>
      %broadcast_in_dim3A_294 = arith.constant 4 : i32
      %broadcast_in_dim3A_295 = vector.broadcast %broadcast_in_dim3A_294 : i32 to vector<16xi32>
      %eq3A_296 = arith.cmpf oeq, %get3A_41, %max3A_267 : vector<16xf32>
      %ne3A_297 = arith.cmpi ne, %broadcast_in_dim3A_295, %min3A_187 : vector<16xi32>
      %and3A_298 = arith.andi %eq3A_296, %ne3A_297 : vector<16xi1>
      %select_n3A_299 = arith.select %and3A_298, %broadcast_in_dim3A_295, %broadcast_in_dim3A_7 : vector<16xi1>, vector<16xi32>
      %min3A_300 = arith.minsi %min3A_293, %select_n3A_299 : vector<16xi32>
      %broadcast_in_dim3A_301 = arith.constant 5 : i32
      %broadcast_in_dim3A_302 = vector.broadcast %broadcast_in_dim3A_301 : i32 to vector<16xi32>
      %eq3A_303 = arith.cmpf oeq, %get3A_46, %max3A_267 : vector<16xf32>
      %ne3A_304 = arith.cmpi ne, %broadcast_in_dim3A_302, %min3A_187 : vector<16xi32>
      %and3A_305 = arith.andi %eq3A_303, %ne3A_304 : vector<16xi1>
      %select_n3A_306 = arith.select %and3A_305, %broadcast_in_dim3A_302, %broadcast_in_dim3A_7 : vector<16xi1>, vector<16xi32>
      %min3A_307 = arith.minsi %min3A_300, %select_n3A_306 : vector<16xi32>
      %broadcast_in_dim3A_308 = arith.constant 6 : i32
      %broadcast_in_dim3A_309 = vector.broadcast %broadcast_in_dim3A_308 : i32 to vector<16xi32>
      %eq3A_310 = arith.cmpf oeq, %get3A_51, %max3A_267 : vector<16xf32>
      %ne3A_311 = arith.cmpi ne, %broadcast_in_dim3A_309, %min3A_187 : vector<16xi32>
      %and3A_312 = arith.andi %eq3A_310, %ne3A_311 : vector<16xi1>
      %select_n3A_313 = arith.select %and3A_312, %broadcast_in_dim3A_309, %broadcast_in_dim3A_7 : vector<16xi1>, vector<16xi32>
      %min3A_314 = arith.minsi %min3A_307, %select_n3A_313 : vector<16xi32>
      %broadcast_in_dim3A_315 = arith.constant 7 : i32
      %broadcast_in_dim3A_316 = vector.broadcast %broadcast_in_dim3A_315 : i32 to vector<16xi32>
      %eq3A_317 = arith.cmpf oeq, %get3A_56, %max3A_267 : vector<16xf32>
      %ne3A_318 = arith.cmpi ne, %broadcast_in_dim3A_316, %min3A_187 : vector<16xi32>
      %and3A_319 = arith.andi %eq3A_317, %ne3A_318 : vector<16xi1>
      %select_n3A_320 = arith.select %and3A_319, %broadcast_in_dim3A_316, %broadcast_in_dim3A_7 : vector<16xi1>, vector<16xi32>
      %min3A_321 = arith.minsi %min3A_314, %select_n3A_320 : vector<16xi32>
      %broadcast_in_dim3A_322 = arith.constant 8 : i32
      %broadcast_in_dim3A_323 = vector.broadcast %broadcast_in_dim3A_322 : i32 to vector<16xi32>
      %eq3A_324 = arith.cmpf oeq, %get3A_61, %max3A_267 : vector<16xf32>
      %ne3A_325 = arith.cmpi ne, %broadcast_in_dim3A_323, %min3A_187 : vector<16xi32>
      %and3A_326 = arith.andi %eq3A_324, %ne3A_325 : vector<16xi1>
      %select_n3A_327 = arith.select %and3A_326, %broadcast_in_dim3A_323, %broadcast_in_dim3A_7 : vector<16xi1>, vector<16xi32>
      %min3A_328 = arith.minsi %min3A_321, %select_n3A_327 : vector<16xi32>
      %broadcast_in_dim3A_329 = arith.constant 9 : i32
      %broadcast_in_dim3A_330 = vector.broadcast %broadcast_in_dim3A_329 : i32 to vector<16xi32>
      %eq3A_331 = arith.cmpf oeq, %get3A_66, %max3A_267 : vector<16xf32>
      %ne3A_332 = arith.cmpi ne, %broadcast_in_dim3A_330, %min3A_187 : vector<16xi32>
      %and3A_333 = arith.andi %eq3A_331, %ne3A_332 : vector<16xi1>
      %select_n3A_334 = arith.select %and3A_333, %broadcast_in_dim3A_330, %broadcast_in_dim3A_7 : vector<16xi1>, vector<16xi32>
      %min3A_335 = arith.minsi %min3A_328, %select_n3A_334 : vector<16xi32>
      %broadcast_in_dim3A_336 = arith.constant 10 : i32
      %broadcast_in_dim3A_337 = vector.broadcast %broadcast_in_dim3A_336 : i32 to vector<16xi32>
      %eq3A_338 = arith.cmpf oeq, %get3A_71, %max3A_267 : vector<16xf32>
      %ne3A_339 = arith.cmpi ne, %broadcast_in_dim3A_337, %min3A_187 : vector<16xi32>
      %and3A_340 = arith.andi %eq3A_338, %ne3A_339 : vector<16xi1>
      %select_n3A_341 = arith.select %and3A_340, %broadcast_in_dim3A_337, %broadcast_in_dim3A_7 : vector<16xi1>, vector<16xi32>
      %min3A_342 = arith.minsi %min3A_335, %select_n3A_341 : vector<16xi32>
      %broadcast_in_dim3A_343 = arith.constant 11 : i32
      %broadcast_in_dim3A_344 = vector.broadcast %broadcast_in_dim3A_343 : i32 to vector<16xi32>
      %eq3A_345 = arith.cmpf oeq, %get3A_76, %max3A_267 : vector<16xf32>
      %ne3A_346 = arith.cmpi ne, %broadcast_in_dim3A_344, %min3A_187 : vector<16xi32>
      %and3A_347 = arith.andi %eq3A_345, %ne3A_346 : vector<16xi1>
      %select_n3A_348 = arith.select %and3A_347, %broadcast_in_dim3A_344, %broadcast_in_dim3A_7 : vector<16xi1>, vector<16xi32>
      %min3A_349 = arith.minsi %min3A_342, %select_n3A_348 : vector<16xi32>
      %broadcast_in_dim3A_350 = arith.constant 12 : i32
      %broadcast_in_dim3A_351 = vector.broadcast %broadcast_in_dim3A_350 : i32 to vector<16xi32>
      %eq3A_352 = arith.cmpf oeq, %get3A_81, %max3A_267 : vector<16xf32>
      %ne3A_353 = arith.cmpi ne, %broadcast_in_dim3A_351, %min3A_187 : vector<16xi32>
      %and3A_354 = arith.andi %eq3A_352, %ne3A_353 : vector<16xi1>
      %select_n3A_355 = arith.select %and3A_354, %broadcast_in_dim3A_351, %broadcast_in_dim3A_7 : vector<16xi1>, vector<16xi32>
      %min3A_356 = arith.minsi %min3A_349, %select_n3A_355 : vector<16xi32>
      %broadcast_in_dim3A_357 = arith.constant 13 : i32
      %broadcast_in_dim3A_358 = vector.broadcast %broadcast_in_dim3A_357 : i32 to vector<16xi32>
      %eq3A_359 = arith.cmpf oeq, %get3A_86, %max3A_267 : vector<16xf32>
      %ne3A_360 = arith.cmpi ne, %broadcast_in_dim3A_358, %min3A_187 : vector<16xi32>
      %and3A_361 = arith.andi %eq3A_359, %ne3A_360 : vector<16xi1>
      %select_n3A_362 = arith.select %and3A_361, %broadcast_in_dim3A_358, %broadcast_in_dim3A_7 : vector<16xi1>, vector<16xi32>
      %min3A_363 = arith.minsi %min3A_356, %select_n3A_362 : vector<16xi32>
      %broadcast_in_dim3A_364 = arith.constant 14 : i32
      %broadcast_in_dim3A_365 = vector.broadcast %broadcast_in_dim3A_364 : i32 to vector<16xi32>
      %eq3A_366 = arith.cmpf oeq, %get3A_91, %max3A_267 : vector<16xf32>
      %ne3A_367 = arith.cmpi ne, %broadcast_in_dim3A_365, %min3A_187 : vector<16xi32>
      %and3A_368 = arith.andi %eq3A_366, %ne3A_367 : vector<16xi1>
      %select_n3A_369 = arith.select %and3A_368, %broadcast_in_dim3A_365, %broadcast_in_dim3A_7 : vector<16xi1>, vector<16xi32>
      %min3A_370 = arith.minsi %min3A_363, %select_n3A_369 : vector<16xi32>
      %broadcast_in_dim3A_371 = arith.constant 15 : i32
      %broadcast_in_dim3A_372 = vector.broadcast %broadcast_in_dim3A_371 : i32 to vector<16xi32>
      %eq3A_373 = arith.cmpf oeq, %get3A_96, %max3A_267 : vector<16xf32>
      %ne3A_374 = arith.cmpi ne, %broadcast_in_dim3A_372, %min3A_187 : vector<16xi32>
      %and3A_375 = arith.andi %eq3A_373, %ne3A_374 : vector<16xi1>
      %select_n3A_376 = arith.select %and3A_375, %broadcast_in_dim3A_372, %broadcast_in_dim3A_7 : vector<16xi1>, vector<16xi32>
      %min3A_377 = arith.minsi %min3A_370, %select_n3A_376 : vector<16xi32>
      %ge3A = arith.cmpf oge, %max3A_110, %broadcast_in_dim3A_9 : vector<16xf32>
      %select_n3A_378 = arith.select %ge3A, %min3A_187, %broadcast_in_dim3A_5 : vector<16xi1>, vector<16xi32>
      %select_n3A_379 = arith.select %ge3A, %min3A_377, %broadcast_in_dim3A_5 : vector<16xi1>, vector<16xi32>
      %swap3A = arith.index_cast %mul3A_17 : i32 to index
      %swap3A_380 = tpu.vector_load %arg8[%swap3A] {strides = array<i32>} : memref<128xf32, #tpu.memory_space<vmem>>, vector<16xf32>,
      %swap3A_381 = vector.shape_cast %swap3A_380 : vector<16xf32> to vector<16xf32>
      %swap3A_382 = vector.shape_cast %max3A_110 : vector<16xf32> to vector<16xf32>
      tpu.vector_store %arg8[%swap3A], %swap3A_382 {strides = array<i32>} : memref<128xf32, #tpu.memory_space<vmem>>, vector<16xf32>,
      %swap3A_383 = arith.index_cast %mul3A_17 : i32 to index
      %swap3A_384 = tpu.vector_load %arg9[%swap3A_383] {strides = array<i32>} : memref<128xf32, #tpu.memory_space<vmem>>, vector<16xf32>,
      %swap3A_385 = vector.shape_cast %swap3A_384 : vector<16xf32> to vector<16xf32>
      %swap3A_386 = vector.shape_cast %max3A_267 : vector<16xf32> to vector<16xf32>
      tpu.vector_store %arg9[%swap3A_383], %swap3A_386 {strides = array<i32>} : memref<128xf32, #tpu.memory_space<vmem>>, vector<16xf32>,
      %swap3A_387 = arith.index_cast %mul3A_17 : i32 to index
      %swap3A_388 = tpu.vector_load %arg10[%swap3A_387] {strides = array<i32>} : memref<128xi32, #tpu.memory_space<vmem>>, vector<16xi32>,
      %swap3A_389 = vector.shape_cast %swap3A_388 : vector<16xi32> to vector<16xi32>
      %swap3A_390 = vector.shape_cast %select_n3A_378 : vector<16xi32> to vector<16xi32>
      tpu.vector_store %arg10[%swap3A_387], %swap3A_390 {strides = array<i32>} : memref<128xi32, #tpu.memory_space<vmem>>, vector<16xi32>,
      %swap3A_391 = arith.index_cast %mul3A_17 : i32 to index
      %swap3A_392 = tpu.vector_load %arg11[%swap3A_391] {strides = array<i32>} : memref<128xi32, #tpu.memory_space<vmem>>, vector<16xi32>,
      %swap3A_393 = vector.shape_cast %swap3A_392 : vector<16xi32> to vector<16xi32>
      %swap3A_394 = vector.shape_cast %select_n3A_379 : vector<16xi32> to vector<16xi32>
      tpu.vector_store %arg11[%swap3A_391], %swap3A_394 {strides = array<i32>} : memref<128xi32, #tpu.memory_space<vmem>>, vector<16xi32>,
    }
    %scan3A_14 = arith.constant 8 : i32
    "tpu.region"() ({
      %run_scoped3A = tpu.sem_alloc : memref<!tpu.dma_semaphore, #tpu.memory_space<semaphore_mem>>
      %dma_start3A = tpu.memref_slice %arg3[%mul3A_2] : memref<4096xf32, #tpu.memory_space<hbm>> -> memref<128xf32, #tpu.memory_space<hbm>>
      %dma_start3A_15 = tpu.memref_slice %arg3[%mul3A_2] : memref<4096xf32, #tpu.memory_space<hbm>> -> memref<128xf32, #tpu.memory_space<hbm>>
      tpu.enqueue_dma source(%arg8 : memref<128xf32, #tpu.memory_space<vmem>>) target(%dma_start3A_15 : memref<128xf32, #tpu.memory_space<hbm>>) target_semaphore(%run_scoped3A : memref<!tpu.dma_semaphore, #tpu.memory_space<semaphore_mem>>)
      %dma_wait3A = tpu.memref_slice %arg3[%mul3A_2] : memref<4096xf32, #tpu.memory_space<hbm>> -> memref<128xf32, #tpu.memory_space<hbm>>
      %dma_wait3A_16 = tpu.memref_slice %arg3[%mul3A_2] : memref<4096xf32, #tpu.memory_space<hbm>> -> memref<128xf32, #tpu.memory_space<hbm>>
      tpu.wait_dma2 semaphore(%run_scoped3A : memref<!tpu.dma_semaphore, #tpu.memory_space<semaphore_mem>>) src(%arg8 : memref<128xf32, #tpu.memory_space<vmem>>) dst(%dma_wait3A_16 : memref<128xf32, #tpu.memory_space<hbm>>)
      tpu.yield
    }) : () -> ()
    "tpu.region"() ({
      %run_scoped3A = tpu.sem_alloc : memref<!tpu.dma_semaphore, #tpu.memory_space<semaphore_mem>>
      %dma_start3A = tpu.memref_slice %arg4[%mul3A_2] : memref<4096xf32, #tpu.memory_space<hbm>> -> memref<128xf32, #tpu.memory_space<hbm>>
      %dma_start3A_15 = tpu.memref_slice %arg4[%mul3A_2] : memref<4096xf32, #tpu.memory_space<hbm>> -> memref<128xf32, #tpu.memory_space<hbm>>
      tpu.enqueue_dma source(%arg9 : memref<128xf32, #tpu.memory_space<vmem>>) target(%dma_start3A_15 : memref<128xf32, #tpu.memory_space<hbm>>) target_semaphore(%run_scoped3A : memref<!tpu.dma_semaphore, #tpu.memory_space<semaphore_mem>>)
      %dma_wait3A = tpu.memref_slice %arg4[%mul3A_2] : memref<4096xf32, #tpu.memory_space<hbm>> -> memref<128xf32, #tpu.memory_space<hbm>>
      %dma_wait3A_16 = tpu.memref_slice %arg4[%mul3A_2] : memref<4096xf32, #tpu.memory_space<hbm>> -> memref<128xf32, #tpu.memory_space<hbm>>
      tpu.wait_dma2 semaphore(%run_scoped3A : memref<!tpu.dma_semaphore, #tpu.memory_space<semaphore_mem>>) src(%arg9 : memref<128xf32, #tpu.memory_space<vmem>>) dst(%dma_wait3A_16 : memref<128xf32, #tpu.memory_space<hbm>>)
      tpu.yield
    }) : () -> ()
    "tpu.region"() ({
      %run_scoped3A = tpu.sem_alloc : memref<!tpu.dma_semaphore, #tpu.memory_space<semaphore_mem>>
      %dma_start3A = tpu.memref_slice %arg5[%mul3A_2] : memref<4096xi32, #tpu.memory_space<hbm>> -> memref<128xi32, #tpu.memory_space<hbm>>
      %dma_start3A_15 = tpu.memref_slice %arg5[%mul3A_2] : memref<4096xi32, #tpu.memory_space<hbm>> -> memref<128xi32, #tpu.memory_space<hbm>>
      tpu.enqueue_dma source(%arg10 : memref<128xi32, #tpu.memory_space<vmem>>) target(%dma_start3A_15 : memref<128xi32, #tpu.memory_space<hbm>>) target_semaphore(%run_scoped3A : memref<!tpu.dma_semaphore, #tpu.memory_space<semaphore_mem>>)
      %dma_wait3A = tpu.memref_slice %arg5[%mul3A_2] : memref<4096xi32, #tpu.memory_space<hbm>> -> memref<128xi32, #tpu.memory_space<hbm>>
      %dma_wait3A_16 = tpu.memref_slice %arg5[%mul3A_2] : memref<4096xi32, #tpu.memory_space<hbm>> -> memref<128xi32, #tpu.memory_space<hbm>>
      tpu.wait_dma2 semaphore(%run_scoped3A : memref<!tpu.dma_semaphore, #tpu.memory_space<semaphore_mem>>) src(%arg10 : memref<128xi32, #tpu.memory_space<vmem>>) dst(%dma_wait3A_16 : memref<128xi32, #tpu.memory_space<hbm>>)
      tpu.yield
    }) : () -> ()
    "tpu.region"() ({
      %run_scoped3A = tpu.sem_alloc : memref<!tpu.dma_semaphore, #tpu.memory_space<semaphore_mem>>
      %dma_start3A = tpu.memref_slice %arg6[%mul3A_2] : memref<4096xi32, #tpu.memory_space<hbm>> -> memref<128xi32, #tpu.memory_space<hbm>>
      %dma_start3A_15 = tpu.memref_slice %arg6[%mul3A_2] : memref<4096xi32, #tpu.memory_space<hbm>> -> memref<128xi32, #tpu.memory_space<hbm>>
      tpu.enqueue_dma source(%arg11 : memref<128xi32, #tpu.memory_space<vmem>>) target(%dma_start3A_15 : memref<128xi32, #tpu.memory_space<hbm>>) target_semaphore(%run_scoped3A : memref<!tpu.dma_semaphore, #tpu.memory_space<semaphore_mem>>)
      %dma_wait3A = tpu.memref_slice %arg6[%mul3A_2] : memref<4096xi32, #tpu.memory_space<hbm>> -> memref<128xi32, #tpu.memory_space<hbm>>
      %dma_wait3A_16 = tpu.memref_slice %arg6[%mul3A_2] : memref<4096xi32, #tpu.memory_space<hbm>> -> memref<128xi32, #tpu.memory_space<hbm>>
      tpu.wait_dma2 semaphore(%run_scoped3A : memref<!tpu.dma_semaphore, #tpu.memory_space<semaphore_mem>>) src(%arg11 : memref<128xi32, #tpu.memory_space<vmem>>) dst(%dma_wait3A_16 : memref<128xi32, #tpu.memory_space<hbm>>)
      tpu.yield
    }) : () -> ()
    return
  }
}

#map = affine_map<(d0, d1) -> (0, 0)>
#map1 = affine_map<(d0, d1) -> (0)>
module attributes {stable_mosaic.version = 14 : i64} {
  func.func @sc_kernel(%arg0: i32, %arg1: i32, %arg2: memref<16x4096xf32, #tpu.memory_space<hbm>>, %arg3: memref<4096xf32, #tpu.memory_space<hbm>>, %arg4: memref<4096xf32, #tpu.memory_space<hbm>>, %arg5: memref<4096xi32, #tpu.memory_space<hbm>>, %arg6: memref<4096xi32, #tpu.memory_space<hbm>>, %arg7: memref<16x128xf32, #tpu.memory_space<vmem>>, %arg8: memref<128xf32, #tpu.memory_space<vmem>>, %arg9: memref<128xf32, #tpu.memory_space<vmem>>, %arg10: memref<128xi32, #tpu.memory_space<vmem>>, %arg11: memref<128xi32, #tpu.memory_space<vmem>>) attributes {dimension_semantics = [#tpu.dimension_semantics<core_parallel>, #tpu.dimension_semantics<subcore_parallel>], iteration_bounds = array<i64: 2, 16>, scalar_prefetch = 0 : i64, scratch_operands = 5 : i64, tpu.core_type = #tpu.core_type<sc_vector_subcore>, window_params = [{transform_indices = #map}, {transform_indices = #map1}, {transform_indices = #map1}, {transform_indices = #map1}, {transform_indices = #map1}]} {
    %mul3A = arith.constant 2 : i32
    %mul3A_0 = arith.muli %arg1, %mul3A : i32
    %add3A = arith.addi %mul3A_0, %arg0 : i32
    %mul3A_1 = arith.constant 128 : i32
    %mul3A_2 = arith.muli %add3A, %mul3A_1 : i32
    "tpu.region"() ({
      %run_scoped3A = tpu.sem_alloc : memref<!tpu.dma_semaphore, #tpu.memory_space<semaphore_mem>>
      %dma_start3A = arith.constant 0 : i32
      %dma_start3A_15 = tpu.memref_slice %arg2[%dma_start3A, %mul3A_2] : memref<16x4096xf32, #tpu.memory_space<hbm>> -> memref<16x128xf32, #tpu.memory_space<hbm>>
      %dma_start3A_16 = arith.constant 0 : i32
      %dma_start3A_17 = tpu.memref_slice %arg2[%dma_start3A_16, %mul3A_2] : memref<16x4096xf32, #tpu.memory_space<hbm>> -> memref<16x128xf32, #tpu.memory_space<hbm>>
      tpu.enqueue_dma source(%dma_start3A_17 : memref<16x128xf32, #tpu.memory_space<hbm>>) target(%arg7 : memref<16x128xf32, #tpu.memory_space<vmem>>) target_semaphore(%run_scoped3A : memref<!tpu.dma_semaphore, #tpu.memory_space<semaphore_mem>>)
      %dma_wait3A = arith.constant 0 : i32
      %dma_wait3A_18 = tpu.memref_slice %arg2[%dma_wait3A, %mul3A_2] : memref<16x4096xf32, #tpu.memory_space<hbm>> -> memref<16x128xf32, #tpu.memory_space<hbm>>
      %dma_wait3A_19 = arith.constant 0 : i32
      %dma_wait3A_20 = tpu.memref_slice %arg2[%dma_wait3A_19, %mul3A_2] : memref<16x4096xf32, #tpu.memory_space<hbm>> -> memref<16x128xf32, #tpu.memory_space<hbm>>
      tpu.wait_dma2 semaphore(%run_scoped3A : memref<!tpu.dma_semaphore, #tpu.memory_space<semaphore_mem>>) src(%dma_wait3A_20 : memref<16x128xf32, #tpu.memory_space<hbm>>) dst(%arg7 : memref<16x128xf32, #tpu.memory_space<vmem>>)
      tpu.yield
    }) : () -> ()
    %broadcast_in_dim3A = arith.constant -1.000000e+00 : f32
    %broadcast_in_dim3A_3 = vector.broadcast %broadcast_in_dim3A : f32 to vector<16xf32>
    %broadcast_in_dim3A_4 = arith.constant -1 : i32
    %broadcast_in_dim3A_5 = vector.broadcast %broadcast_in_dim3A_4 : i32 to vector<16xi32>
    %broadcast_in_dim3A_6 = arith.constant 16 : i32
    %broadcast_in_dim3A_7 = vector.broadcast %broadcast_in_dim3A_6 : i32 to vector<16xi32>
    %broadcast_in_dim3A_8 = arith.constant 0.699999988 : f32
    %broadcast_in_dim3A_9 = vector.broadcast %broadcast_in_dim3A_8 : f32 to vector<16xf32>
    %scan3A = arith.constant 0 : i32
    %scan3A_10 = arith.constant 0 : i32
    %scan3A_11 = arith.constant 8 : i32
    %scan3A_12 = arith.addi %scan3A_10, %scan3A_11 : i32
    %scan3A_13 = arith.constant 1 : i32
    scf.for %scan3A_15 = %scan3A_10 to %scan3A_12 step %scan3A_13  : i32 {
      %mul3A_16 = arith.constant 16 : i32
      %mul3A_17 = arith.muli %scan3A_15, %mul3A_16 : i32
      %get3A = arith.constant 0 : i32
      %get3A_18 = arith.index_cast %get3A : i32 to index
      %get3A_19 = arith.index_cast %mul3A_17 : i32 to index
      %get3A_20 = tpu.vector_load %arg7[%get3A_18, %get3A_19] {strides = array<i32>} : memref<16x128xf32, #tpu.memory_space<vmem>>, vector<1x16xf32>,
      %get3A_21 = vector.shape_cast %get3A_20 : vector<1x16xf32> to vector<16xf32>
      %get3A_22 = arith.constant 1 : i32
      %get3A_23 = arith.index_cast %get3A_22 : i32 to index
      %get3A_24 = arith.index_cast %mul3A_17 : i32 to index
      %get3A_25 = tpu.vector_load %arg7[%get3A_23, %get3A_24] {strides = array<i32>} : memref<16x128xf32, #tpu.memory_space<vmem>>, vector<1x16xf32>,
      %get3A_26 = vector.shape_cast %get3A_25 : vector<1x16xf32> to vector<16xf32>
      %get3A_27 = arith.constant 2 : i32
      %get3A_28 = arith.index_cast %get3A_27 : i32 to index
      %get3A_29 = arith.index_cast %mul3A_17 : i32 to index
      %get3A_30 = tpu.vector_load %arg7[%get3A_28, %get3A_29] {strides = array<i32>} : memref<16x128xf32, #tpu.memory_space<vmem>>, vector<1x16xf32>,
      %get3A_31 = vector.shape_cast %get3A_30 : vector<1x16xf32> to vector<16xf32>
      %get3A_32 = arith.constant 3 : i32
      %get3A_33 = arith.index_cast %get3A_32 : i32 to index
      %get3A_34 = arith.index_cast %mul3A_17 : i32 to index
      %get3A_35 = tpu.vector_load %arg7[%get3A_33, %get3A_34] {strides = array<i32>} : memref<16x128xf32, #tpu.memory_space<vmem>>, vector<1x16xf32>,
      %get3A_36 = vector.shape_cast %get3A_35 : vector<1x16xf32> to vector<16xf32>
      %get3A_37 = arith.constant 4 : i32
      %get3A_38 = arith.index_cast %get3A_37 : i32 to index
      %get3A_39 = arith.index_cast %mul3A_17 : i32 to index
      %get3A_40 = tpu.vector_load %arg7[%get3A_38, %get3A_39] {strides = array<i32>} : memref<16x128xf32, #tpu.memory_space<vmem>>, vector<1x16xf32>,
      %get3A_41 = vector.shape_cast %get3A_40 : vector<1x16xf32> to vector<16xf32>
      %get3A_42 = arith.constant 5 : i32
      %get3A_43 = arith.index_cast %get3A_42 : i32 to index
      %get3A_44 = arith.index_cast %mul3A_17 : i32 to index
      %get3A_45 = tpu.vector_load %arg7[%get3A_43, %get3A_44] {strides = array<i32>} : memref<16x128xf32, #tpu.memory_space<vmem>>, vector<1x16xf32>,
      %get3A_46 = vector.shape_cast %get3A_45 : vector<1x16xf32> to vector<16xf32>
      %get3A_47 = arith.constant 6 : i32
      %get3A_48 = arith.index_cast %get3A_47 : i32 to index
      %get3A_49 = arith.index_cast %mul3A_17 : i32 to index
      %get3A_50 = tpu.vector_load %arg7[%get3A_48, %get3A_49] {strides = array<i32>} : memref<16x128xf32, #tpu.memory_space<vmem>>, vector<1x16xf32>,
      %get3A_51 = vector.shape_cast %get3A_50 : vector<1x16xf32> to vector<16xf32>
      %get3A_52 = arith.constant 7 : i32
      %get3A_53 = arith.index_cast %get3A_52 : i32 to index
      %get3A_54 = arith.index_cast %mul3A_17 : i32 to index
      %get3A_55 = tpu.vector_load %arg7[%get3A_53, %get3A_54] {strides = array<i32>} : memref<16x128xf32, #tpu.memory_space<vmem>>, vector<1x16xf32>,
      %get3A_56 = vector.shape_cast %get3A_55 : vector<1x16xf32> to vector<16xf32>
      %get3A_57 = arith.constant 8 : i32
      %get3A_58 = arith.index_cast %get3A_57 : i32 to index
      %get3A_59 = arith.index_cast %mul3A_17 : i32 to index
      %get3A_60 = tpu.vector_load %arg7[%get3A_58, %get3A_59] {strides = array<i32>} : memref<16x128xf32, #tpu.memory_space<vmem>>, vector<1x16xf32>,
      %get3A_61 = vector.shape_cast %get3A_60 : vector<1x16xf32> to vector<16xf32>
      %get3A_62 = arith.constant 9 : i32
      %get3A_63 = arith.index_cast %get3A_62 : i32 to index
      %get3A_64 = arith.index_cast %mul3A_17 : i32 to index
      %get3A_65 = tpu.vector_load %arg7[%get3A_63, %get3A_64] {strides = array<i32>} : memref<16x128xf32, #tpu.memory_space<vmem>>, vector<1x16xf32>,
      %get3A_66 = vector.shape_cast %get3A_65 : vector<1x16xf32> to vector<16xf32>
      %get3A_67 = arith.constant 10 : i32
      %get3A_68 = arith.index_cast %get3A_67 : i32 to index
      %get3A_69 = arith.index_cast %mul3A_17 : i32 to index
      %get3A_70 = tpu.vector_load %arg7[%get3A_68, %get3A_69] {strides = array<i32>} : memref<16x128xf32, #tpu.memory_space<vmem>>, vector<1x16xf32>,
      %get3A_71 = vector.shape_cast %get3A_70 : vector<1x16xf32> to vector<16xf32>
      %get3A_72 = arith.constant 11 : i32
      %get3A_73 = arith.index_cast %get3A_72 : i32 to index
      %get3A_74 = arith.index_cast %mul3A_17 : i32 to index
      %get3A_75 = tpu.vector_load %arg7[%get3A_73, %get3A_74] {strides = array<i32>} : memref<16x128xf32, #tpu.memory_space<vmem>>, vector<1x16xf32>,
      %get3A_76 = vector.shape_cast %get3A_75 : vector<1x16xf32> to vector<16xf32>
      %get3A_77 = arith.constant 12 : i32
      %get3A_78 = arith.index_cast %get3A_77 : i32 to index
      %get3A_79 = arith.index_cast %mul3A_17 : i32 to index
      %get3A_80 = tpu.vector_load %arg7[%get3A_78, %get3A_79] {strides = array<i32>} : memref<16x128xf32, #tpu.memory_space<vmem>>, vector<1x16xf32>,
      %get3A_81 = vector.shape_cast %get3A_80 : vector<1x16xf32> to vector<16xf32>
      %get3A_82 = arith.constant 13 : i32
      %get3A_83 = arith.index_cast %get3A_82 : i32 to index
      %get3A_84 = arith.index_cast %mul3A_17 : i32 to index
      %get3A_85 = tpu.vector_load %arg7[%get3A_83, %get3A_84] {strides = array<i32>} : memref<16x128xf32, #tpu.memory_space<vmem>>, vector<1x16xf32>,
      %get3A_86 = vector.shape_cast %get3A_85 : vector<1x16xf32> to vector<16xf32>
      %get3A_87 = arith.constant 14 : i32
      %get3A_88 = arith.index_cast %get3A_87 : i32 to index
      %get3A_89 = arith.index_cast %mul3A_17 : i32 to index
      %get3A_90 = tpu.vector_load %arg7[%get3A_88, %get3A_89] {strides = array<i32>} : memref<16x128xf32, #tpu.memory_space<vmem>>, vector<1x16xf32>,
      %get3A_91 = vector.shape_cast %get3A_90 : vector<1x16xf32> to vector<16xf32>
      %get3A_92 = arith.constant 15 : i32
      %get3A_93 = arith.index_cast %get3A_92 : i32 to index
      %get3A_94 = arith.index_cast %mul3A_17 : i32 to index
      %get3A_95 = tpu.vector_load %arg7[%get3A_93, %get3A_94] {strides = array<i32>} : memref<16x128xf32, #tpu.memory_space<vmem>>, vector<1x16xf32>,
      %get3A_96 = vector.shape_cast %get3A_95 : vector<1x16xf32> to vector<16xf32>
      %max3A = arith.maximumf %get3A_21, %get3A_26 : vector<16xf32>
      %max3A_97 = arith.maximumf %max3A, %get3A_31 : vector<16xf32>
      %max3A_98 = arith.maximumf %max3A_97, %get3A_36 : vector<16xf32>
      %max3A_99 = arith.maximumf %max3A_98, %get3A_41 : vector<16xf32>
      %max3A_100 = arith.maximumf %max3A_99, %get3A_46 : vector<16xf32>
      %max3A_101 = arith.maximumf %max3A_100, %get3A_51 : vector<16xf32>
      %max3A_102 = arith.maximumf %max3A_101, %get3A_56 : vector<16xf32>
      %max3A_103 = arith.maximumf %max3A_102, %get3A_61 : vector<16xf32>
      %max3A_104 = arith.maximumf %max3A_103, %get3A_66 : vector<16xf32>
      %max3A_105 = arith.maximumf %max3A_104, %get3A_71 : vector<16xf32>
      %max3A_106 = arith.maximumf %max3A_105, %get3A_76 : vector<16xf32>
      %max3A_107 = arith.maximumf %max3A_106, %get3A_81 : vector<16xf32>
      %max3A_108 = arith.maximumf %max3A_107, %get3A_86 : vector<16xf32>
      %max3A_109 = arith.maximumf %max3A_108, %get3A_91 : vector<16xf32>
      %max3A_110 = arith.maximumf %max3A_109, %get3A_96 : vector<16xf32>
      %broadcast_in_dim3A_111 = arith.constant 0 : i32
      %broadcast_in_dim3A_112 = vector.broadcast %broadcast_in_dim3A_111 : i32 to vector<16xi32>
      %eq3A = arith.cmpf oeq, %get3A_21, %max3A_110 : vector<16xf32>
      %select_n3A = arith.select %eq3A, %broadcast_in_dim3A_112, %broadcast_in_dim3A_7 : vector<16xi1>, vector<16xi32>
      %min3A = arith.minsi %broadcast_in_dim3A_7, %select_n3A : vector<16xi32>
      %broadcast_in_dim3A_113 = arith.constant 1 : i32
      %broadcast_in_dim3A_114 = vector.broadcast %broadcast_in_dim3A_113 : i32 to vector<16xi32>
      %eq3A_115 = arith.cmpf oeq, %get3A_26, %max3A_110 : vector<16xf32>
      %select_n3A_116 = arith.select %eq3A_115, %broadcast_in_dim3A_114, %broadcast_in_dim3A_7 : vector<16xi1>, vector<16xi32>
      %min3A_117 = arith.minsi %min3A, %select_n3A_116 : vector<16xi32>
      %broadcast_in_dim3A_118 = arith.constant 2 : i32
      %broadcast_in_dim3A_119 = vector.broadcast %broadcast_in_dim3A_118 : i32 to vector<16xi32>
      %eq3A_120 = arith.cmpf oeq, %get3A_31, %max3A_110 : vector<16xf32>
      %select_n3A_121 = arith.select %eq3A_120, %broadcast_in_dim3A_119, %broadcast_in_dim3A_7 : vector<16xi1>, vector<16xi32>
      %min3A_122 = arith.minsi %min3A_117, %select_n3A_121 : vector<16xi32>
      %broadcast_in_dim3A_123 = arith.constant 3 : i32
      %broadcast_in_dim3A_124 = vector.broadcast %broadcast_in_dim3A_123 : i32 to vector<16xi32>
      %eq3A_125 = arith.cmpf oeq, %get3A_36, %max3A_110 : vector<16xf32>
      %select_n3A_126 = arith.select %eq3A_125, %broadcast_in_dim3A_124, %broadcast_in_dim3A_7 : vector<16xi1>, vector<16xi32>
      %min3A_127 = arith.minsi %min3A_122, %select_n3A_126 : vector<16xi32>
      %broadcast_in_dim3A_128 = arith.constant 4 : i32
      %broadcast_in_dim3A_129 = vector.broadcast %broadcast_in_dim3A_128 : i32 to vector<16xi32>
      %eq3A_130 = arith.cmpf oeq, %get3A_41, %max3A_110 : vector<16xf32>
      %select_n3A_131 = arith.select %eq3A_130, %broadcast_in_dim3A_129, %broadcast_in_dim3A_7 : vector<16xi1>, vector<16xi32>
      %min3A_132 = arith.minsi %min3A_127, %select_n3A_131 : vector<16xi32>
      %broadcast_in_dim3A_133 = arith.constant 5 : i32
      %broadcast_in_dim3A_134 = vector.broadcast %broadcast_in_dim3A_133 : i32 to vector<16xi32>
      %eq3A_135 = arith.cmpf oeq, %get3A_46, %max3A_110 : vector<16xf32>
      %select_n3A_136 = arith.select %eq3A_135, %broadcast_in_dim3A_134, %broadcast_in_dim3A_7 : vector<16xi1>, vector<16xi32>
      %min3A_137 = arith.minsi %min3A_132, %select_n3A_136 : vector<16xi32>
      %broadcast_in_dim3A_138 = arith.constant 6 : i32
      %broadcast_in_dim3A_139 = vector.broadcast %broadcast_in_dim3A_138 : i32 to vector<16xi32>
      %eq3A_140 = arith.cmpf oeq, %get3A_51, %max3A_110 : vector<16xf32>
      %select_n3A_141 = arith.select %eq3A_140, %broadcast_in_dim3A_139, %broadcast_in_dim3A_7 : vector<16xi1>, vector<16xi32>
      %min3A_142 = arith.minsi %min3A_137, %select_n3A_141 : vector<16xi32>
      %broadcast_in_dim3A_143 = arith.constant 7 : i32
      %broadcast_in_dim3A_144 = vector.broadcast %broadcast_in_dim3A_143 : i32 to vector<16xi32>
      %eq3A_145 = arith.cmpf oeq, %get3A_56, %max3A_110 : vector<16xf32>
      %select_n3A_146 = arith.select %eq3A_145, %broadcast_in_dim3A_144, %broadcast_in_dim3A_7 : vector<16xi1>, vector<16xi32>
      %min3A_147 = arith.minsi %min3A_142, %select_n3A_146 : vector<16xi32>
      %broadcast_in_dim3A_148 = arith.constant 8 : i32
      %broadcast_in_dim3A_149 = vector.broadcast %broadcast_in_dim3A_148 : i32 to vector<16xi32>
      %eq3A_150 = arith.cmpf oeq, %get3A_61, %max3A_110 : vector<16xf32>
      %select_n3A_151 = arith.select %eq3A_150, %broadcast_in_dim3A_149, %broadcast_in_dim3A_7 : vector<16xi1>, vector<16xi32>
      %min3A_152 = arith.minsi %min3A_147, %select_n3A_151 : vector<16xi32>
      %broadcast_in_dim3A_153 = arith.constant 9 : i32
      %broadcast_in_dim3A_154 = vector.broadcast %broadcast_in_dim3A_153 : i32 to vector<16xi32>
      %eq3A_155 = arith.cmpf oeq, %get3A_66, %max3A_110 : vector<16xf32>
      %select_n3A_156 = arith.select %eq3A_155, %broadcast_in_dim3A_154, %broadcast_in_dim3A_7 : vector<16xi1>, vector<16xi32>
      %min3A_157 = arith.minsi %min3A_152, %select_n3A_156 : vector<16xi32>
      %broadcast_in_dim3A_158 = arith.constant 10 : i32
      %broadcast_in_dim3A_159 = vector.broadcast %broadcast_in_dim3A_158 : i32 to vector<16xi32>
      %eq3A_160 = arith.cmpf oeq, %get3A_71, %max3A_110 : vector<16xf32>
      %select_n3A_161 = arith.select %eq3A_160, %broadcast_in_dim3A_159, %broadcast_in_dim3A_7 : vector<16xi1>, vector<16xi32>
      %min3A_162 = arith.minsi %min3A_157, %select_n3A_161 : vector<16xi32>
      %broadcast_in_dim3A_163 = arith.constant 11 : i32
      %broadcast_in_dim3A_164 = vector.broadcast %broadcast_in_dim3A_163 : i32 to vector<16xi32>
      %eq3A_165 = arith.cmpf oeq, %get3A_76, %max3A_110 : vector<16xf32>
      %select_n3A_166 = arith.select %eq3A_165, %broadcast_in_dim3A_164, %broadcast_in_dim3A_7 : vector<16xi1>, vector<16xi32>
      %min3A_167 = arith.minsi %min3A_162, %select_n3A_166 : vector<16xi32>
      %broadcast_in_dim3A_168 = arith.constant 12 : i32
      %broadcast_in_dim3A_169 = vector.broadcast %broadcast_in_dim3A_168 : i32 to vector<16xi32>
      %eq3A_170 = arith.cmpf oeq, %get3A_81, %max3A_110 : vector<16xf32>
      %select_n3A_171 = arith.select %eq3A_170, %broadcast_in_dim3A_169, %broadcast_in_dim3A_7 : vector<16xi1>, vector<16xi32>
      %min3A_172 = arith.minsi %min3A_167, %select_n3A_171 : vector<16xi32>
      %broadcast_in_dim3A_173 = arith.constant 13 : i32
      %broadcast_in_dim3A_174 = vector.broadcast %broadcast_in_dim3A_173 : i32 to vector<16xi32>
      %eq3A_175 = arith.cmpf oeq, %get3A_86, %max3A_110 : vector<16xf32>
      %select_n3A_176 = arith.select %eq3A_175, %broadcast_in_dim3A_174, %broadcast_in_dim3A_7 : vector<16xi1>, vector<16xi32>
      %min3A_177 = arith.minsi %min3A_172, %select_n3A_176 : vector<16xi32>
      %broadcast_in_dim3A_178 = arith.constant 14 : i32
      %broadcast_in_dim3A_179 = vector.broadcast %broadcast_in_dim3A_178 : i32 to vector<16xi32>
      %eq3A_180 = arith.cmpf oeq, %get3A_91, %max3A_110 : vector<16xf32>
      %select_n3A_181 = arith.select %eq3A_180, %broadcast_in_dim3A_179, %broadcast_in_dim3A_7 : vector<16xi1>, vector<16xi32>
      %min3A_182 = arith.minsi %min3A_177, %select_n3A_181 : vector<16xi32>
      %broadcast_in_dim3A_183 = arith.constant 15 : i32
      %broadcast_in_dim3A_184 = vector.broadcast %broadcast_in_dim3A_183 : i32 to vector<16xi32>
      %eq3A_185 = arith.cmpf oeq, %get3A_96, %max3A_110 : vector<16xf32>
      %select_n3A_186 = arith.select %eq3A_185, %broadcast_in_dim3A_184, %broadcast_in_dim3A_7 : vector<16xi1>, vector<16xi32>
      %min3A_187 = arith.minsi %min3A_182, %select_n3A_186 : vector<16xi32>
      %broadcast_in_dim3A_188 = arith.constant 0 : i32
      %broadcast_in_dim3A_189 = vector.broadcast %broadcast_in_dim3A_188 : i32 to vector<16xi32>
      %eq3A_190 = arith.cmpi eq, %broadcast_in_dim3A_189, %min3A_187 : vector<16xi32>
      %select_n3A_191 = arith.select %eq3A_190, %broadcast_in_dim3A_3, %get3A_21 : vector<16xi1>, vector<16xf32>
      %max3A_192 = arith.maximumf %broadcast_in_dim3A_3, %select_n3A_191 : vector<16xf32>
      %broadcast_in_dim3A_193 = arith.constant 1 : i32
      %broadcast_in_dim3A_194 = vector.broadcast %broadcast_in_dim3A_193 : i32 to vector<16xi32>
      %eq3A_195 = arith.cmpi eq, %broadcast_in_dim3A_194, %min3A_187 : vector<16xi32>
      %select_n3A_196 = arith.select %eq3A_195, %broadcast_in_dim3A_3, %get3A_26 : vector<16xi1>, vector<16xf32>
      %max3A_197 = arith.maximumf %max3A_192, %select_n3A_196 : vector<16xf32>
      %broadcast_in_dim3A_198 = arith.constant 2 : i32
      %broadcast_in_dim3A_199 = vector.broadcast %broadcast_in_dim3A_198 : i32 to vector<16xi32>
      %eq3A_200 = arith.cmpi eq, %broadcast_in_dim3A_199, %min3A_187 : vector<16xi32>
      %select_n3A_201 = arith.select %eq3A_200, %broadcast_in_dim3A_3, %get3A_31 : vector<16xi1>, vector<16xf32>
      %max3A_202 = arith.maximumf %max3A_197, %select_n3A_201 : vector<16xf32>
      %broadcast_in_dim3A_203 = arith.constant 3 : i32
      %broadcast_in_dim3A_204 = vector.broadcast %broadcast_in_dim3A_203 : i32 to vector<16xi32>
      %eq3A_205 = arith.cmpi eq, %broadcast_in_dim3A_204, %min3A_187 : vector<16xi32>
      %select_n3A_206 = arith.select %eq3A_205, %broadcast_in_dim3A_3, %get3A_36 : vector<16xi1>, vector<16xf32>
      %max3A_207 = arith.maximumf %max3A_202, %select_n3A_206 : vector<16xf32>
      %broadcast_in_dim3A_208 = arith.constant 4 : i32
      %broadcast_in_dim3A_209 = vector.broadcast %broadcast_in_dim3A_208 : i32 to vector<16xi32>
      %eq3A_210 = arith.cmpi eq, %broadcast_in_dim3A_209, %min3A_187 : vector<16xi32>
      %select_n3A_211 = arith.select %eq3A_210, %broadcast_in_dim3A_3, %get3A_41 : vector<16xi1>, vector<16xf32>
      %max3A_212 = arith.maximumf %max3A_207, %select_n3A_211 : vector<16xf32>
      %broadcast_in_dim3A_213 = arith.constant 5 : i32
      %broadcast_in_dim3A_214 = vector.broadcast %broadcast_in_dim3A_213 : i32 to vector<16xi32>
      %eq3A_215 = arith.cmpi eq, %broadcast_in_dim3A_214, %min3A_187 : vector<16xi32>
      %select_n3A_216 = arith.select %eq3A_215, %broadcast_in_dim3A_3, %get3A_46 : vector<16xi1>, vector<16xf32>
      %max3A_217 = arith.maximumf %max3A_212, %select_n3A_216 : vector<16xf32>
      %broadcast_in_dim3A_218 = arith.constant 6 : i32
      %broadcast_in_dim3A_219 = vector.broadcast %broadcast_in_dim3A_218 : i32 to vector<16xi32>
      %eq3A_220 = arith.cmpi eq, %broadcast_in_dim3A_219, %min3A_187 : vector<16xi32>
      %select_n3A_221 = arith.select %eq3A_220, %broadcast_in_dim3A_3, %get3A_51 : vector<16xi1>, vector<16xf32>
      %max3A_222 = arith.maximumf %max3A_217, %select_n3A_221 : vector<16xf32>
      %broadcast_in_dim3A_223 = arith.constant 7 : i32
      %broadcast_in_dim3A_224 = vector.broadcast %broadcast_in_dim3A_223 : i32 to vector<16xi32>
      %eq3A_225 = arith.cmpi eq, %broadcast_in_dim3A_224, %min3A_187 : vector<16xi32>
      %select_n3A_226 = arith.select %eq3A_225, %broadcast_in_dim3A_3, %get3A_56 : vector<16xi1>, vector<16xf32>
      %max3A_227 = arith.maximumf %max3A_222, %select_n3A_226 : vector<16xf32>
      %broadcast_in_dim3A_228 = arith.constant 8 : i32
      %broadcast_in_dim3A_229 = vector.broadcast %broadcast_in_dim3A_228 : i32 to vector<16xi32>
      %eq3A_230 = arith.cmpi eq, %broadcast_in_dim3A_229, %min3A_187 : vector<16xi32>
      %select_n3A_231 = arith.select %eq3A_230, %broadcast_in_dim3A_3, %get3A_61 : vector<16xi1>, vector<16xf32>
      %max3A_232 = arith.maximumf %max3A_227, %select_n3A_231 : vector<16xf32>
      %broadcast_in_dim3A_233 = arith.constant 9 : i32
      %broadcast_in_dim3A_234 = vector.broadcast %broadcast_in_dim3A_233 : i32 to vector<16xi32>
      %eq3A_235 = arith.cmpi eq, %broadcast_in_dim3A_234, %min3A_187 : vector<16xi32>
      %select_n3A_236 = arith.select %eq3A_235, %broadcast_in_dim3A_3, %get3A_66 : vector<16xi1>, vector<16xf32>
      %max3A_237 = arith.maximumf %max3A_232, %select_n3A_236 : vector<16xf32>
      %broadcast_in_dim3A_238 = arith.constant 10 : i32
      %broadcast_in_dim3A_239 = vector.broadcast %broadcast_in_dim3A_238 : i32 to vector<16xi32>
      %eq3A_240 = arith.cmpi eq, %broadcast_in_dim3A_239, %min3A_187 : vector<16xi32>
      %select_n3A_241 = arith.select %eq3A_240, %broadcast_in_dim3A_3, %get3A_71 : vector<16xi1>, vector<16xf32>
      %max3A_242 = arith.maximumf %max3A_237, %select_n3A_241 : vector<16xf32>
      %broadcast_in_dim3A_243 = arith.constant 11 : i32
      %broadcast_in_dim3A_244 = vector.broadcast %broadcast_in_dim3A_243 : i32 to vector<16xi32>
      %eq3A_245 = arith.cmpi eq, %broadcast_in_dim3A_244, %min3A_187 : vector<16xi32>
      %select_n3A_246 = arith.select %eq3A_245, %broadcast_in_dim3A_3, %get3A_76 : vector<16xi1>, vector<16xf32>
      %max3A_247 = arith.maximumf %max3A_242, %select_n3A_246 : vector<16xf32>
      %broadcast_in_dim3A_248 = arith.constant 12 : i32
      %broadcast_in_dim3A_249 = vector.broadcast %broadcast_in_dim3A_248 : i32 to vector<16xi32>
      %eq3A_250 = arith.cmpi eq, %broadcast_in_dim3A_249, %min3A_187 : vector<16xi32>
      %select_n3A_251 = arith.select %eq3A_250, %broadcast_in_dim3A_3, %get3A_81 : vector<16xi1>, vector<16xf32>
      %max3A_252 = arith.maximumf %max3A_247, %select_n3A_251 : vector<16xf32>
      %broadcast_in_dim3A_253 = arith.constant 13 : i32
      %broadcast_in_dim3A_254 = vector.broadcast %broadcast_in_dim3A_253 : i32 to vector<16xi32>
      %eq3A_255 = arith.cmpi eq, %broadcast_in_dim3A_254, %min3A_187 : vector<16xi32>
      %select_n3A_256 = arith.select %eq3A_255, %broadcast_in_dim3A_3, %get3A_86 : vector<16xi1>, vector<16xf32>
      %max3A_257 = arith.maximumf %max3A_252, %select_n3A_256 : vector<16xf32>
      %broadcast_in_dim3A_258 = arith.constant 14 : i32
      %broadcast_in_dim3A_259 = vector.broadcast %broadcast_in_dim3A_258 : i32 to vector<16xi32>
      %eq3A_260 = arith.cmpi eq, %broadcast_in_dim3A_259, %min3A_187 : vector<16xi32>
      %select_n3A_261 = arith.select %eq3A_260, %broadcast_in_dim3A_3, %get3A_91 : vector<16xi1>, vector<16xf32>
      %max3A_262 = arith.maximumf %max3A_257, %select_n3A_261 : vector<16xf32>
      %broadcast_in_dim3A_263 = arith.constant 15 : i32
      %broadcast_in_dim3A_264 = vector.broadcast %broadcast_in_dim3A_263 : i32 to vector<16xi32>
      %eq3A_265 = arith.cmpi eq, %broadcast_in_dim3A_264, %min3A_187 : vector<16xi32>
      %select_n3A_266 = arith.select %eq3A_265, %broadcast_in_dim3A_3, %get3A_96 : vector<16xi1>, vector<16xf32>
      %max3A_267 = arith.maximumf %max3A_262, %select_n3A_266 : vector<16xf32>
      %broadcast_in_dim3A_268 = arith.constant 0 : i32
      %broadcast_in_dim3A_269 = vector.broadcast %broadcast_in_dim3A_268 : i32 to vector<16xi32>
      %eq3A_270 = arith.cmpf oeq, %get3A_21, %max3A_267 : vector<16xf32>
      %ne3A = arith.cmpi ne, %broadcast_in_dim3A_269, %min3A_187 : vector<16xi32>
      %and3A = arith.andi %eq3A_270, %ne3A : vector<16xi1>
      %select_n3A_271 = arith.select %and3A, %broadcast_in_dim3A_269, %broadcast_in_dim3A_7 : vector<16xi1>, vector<16xi32>
      %min3A_272 = arith.minsi %broadcast_in_dim3A_7, %select_n3A_271 : vector<16xi32>
      %broadcast_in_dim3A_273 = arith.constant 1 : i32
      %broadcast_in_dim3A_274 = vector.broadcast %broadcast_in_dim3A_273 : i32 to vector<16xi32>
      %eq3A_275 = arith.cmpf oeq, %get3A_26, %max3A_267 : vector<16xf32>
      %ne3A_276 = arith.cmpi ne, %broadcast_in_dim3A_274, %min3A_187 : vector<16xi32>
      %and3A_277 = arith.andi %eq3A_275, %ne3A_276 : vector<16xi1>
      %select_n3A_278 = arith.select %and3A_277, %broadcast_in_dim3A_274, %broadcast_in_dim3A_7 : vector<16xi1>, vector<16xi32>
      %min3A_279 = arith.minsi %min3A_272, %select_n3A_278 : vector<16xi32>
      %broadcast_in_dim3A_280 = arith.constant 2 : i32
      %broadcast_in_dim3A_281 = vector.broadcast %broadcast_in_dim3A_280 : i32 to vector<16xi32>
      %eq3A_282 = arith.cmpf oeq, %get3A_31, %max3A_267 : vector<16xf32>
      %ne3A_283 = arith.cmpi ne, %broadcast_in_dim3A_281, %min3A_187 : vector<16xi32>
      %and3A_284 = arith.andi %eq3A_282, %ne3A_283 : vector<16xi1>
      %select_n3A_285 = arith.select %and3A_284, %broadcast_in_dim3A_281, %broadcast_in_dim3A_7 : vector<16xi1>, vector<16xi32>
      %min3A_286 = arith.minsi %min3A_279, %select_n3A_285 : vector<16xi32>
      %broadcast_in_dim3A_287 = arith.constant 3 : i32
      %broadcast_in_dim3A_288 = vector.broadcast %broadcast_in_dim3A_287 : i32 to vector<16xi32>
      %eq3A_289 = arith.cmpf oeq, %get3A_36, %max3A_267 : vector<16xf32>
      %ne3A_290 = arith.cmpi ne, %broadcast_in_dim3A_288, %min3A_187 : vector<16xi32>
      %and3A_291 = arith.andi %eq3A_289, %ne3A_290 : vector<16xi1>
      %select_n3A_292 = arith.select %and3A_291, %broadcast_in_dim3A_288, %broadcast_in_dim3A_7 : vector<16xi1>, vector<16xi32>
      %min3A_293 = arith.minsi %min3A_286, %select_n3A_292 : vector<16xi32>
      %broadcast_in_dim3A_294 = arith.constant 4 : i32
      %broadcast_in_dim3A_295 = vector.broadcast %broadcast_in_dim3A_294 : i32 to vector<16xi32>
      %eq3A_296 = arith.cmpf oeq, %get3A_41, %max3A_267 : vector<16xf32>
      %ne3A_297 = arith.cmpi ne, %broadcast_in_dim3A_295, %min3A_187 : vector<16xi32>
      %and3A_298 = arith.andi %eq3A_296, %ne3A_297 : vector<16xi1>
      %select_n3A_299 = arith.select %and3A_298, %broadcast_in_dim3A_295, %broadcast_in_dim3A_7 : vector<16xi1>, vector<16xi32>
      %min3A_300 = arith.minsi %min3A_293, %select_n3A_299 : vector<16xi32>
      %broadcast_in_dim3A_301 = arith.constant 5 : i32
      %broadcast_in_dim3A_302 = vector.broadcast %broadcast_in_dim3A_301 : i32 to vector<16xi32>
      %eq3A_303 = arith.cmpf oeq, %get3A_46, %max3A_267 : vector<16xf32>
      %ne3A_304 = arith.cmpi ne, %broadcast_in_dim3A_302, %min3A_187 : vector<16xi32>
      %and3A_305 = arith.andi %eq3A_303, %ne3A_304 : vector<16xi1>
      %select_n3A_306 = arith.select %and3A_305, %broadcast_in_dim3A_302, %broadcast_in_dim3A_7 : vector<16xi1>, vector<16xi32>
      %min3A_307 = arith.minsi %min3A_300, %select_n3A_306 : vector<16xi32>
      %broadcast_in_dim3A_308 = arith.constant 6 : i32
      %broadcast_in_dim3A_309 = vector.broadcast %broadcast_in_dim3A_308 : i32 to vector<16xi32>
      %eq3A_310 = arith.cmpf oeq, %get3A_51, %max3A_267 : vector<16xf32>
      %ne3A_311 = arith.cmpi ne, %broadcast_in_dim3A_309, %min3A_187 : vector<16xi32>
      %and3A_312 = arith.andi %eq3A_310, %ne3A_311 : vector<16xi1>
      %select_n3A_313 = arith.select %and3A_312, %broadcast_in_dim3A_309, %broadcast_in_dim3A_7 : vector<16xi1>, vector<16xi32>
      %min3A_314 = arith.minsi %min3A_307, %select_n3A_313 : vector<16xi32>
      %broadcast_in_dim3A_315 = arith.constant 7 : i32
      %broadcast_in_dim3A_316 = vector.broadcast %broadcast_in_dim3A_315 : i32 to vector<16xi32>
      %eq3A_317 = arith.cmpf oeq, %get3A_56, %max3A_267 : vector<16xf32>
      %ne3A_318 = arith.cmpi ne, %broadcast_in_dim3A_316, %min3A_187 : vector<16xi32>
      %and3A_319 = arith.andi %eq3A_317, %ne3A_318 : vector<16xi1>
      %select_n3A_320 = arith.select %and3A_319, %broadcast_in_dim3A_316, %broadcast_in_dim3A_7 : vector<16xi1>, vector<16xi32>
      %min3A_321 = arith.minsi %min3A_314, %select_n3A_320 : vector<16xi32>
      %broadcast_in_dim3A_322 = arith.constant 8 : i32
      %broadcast_in_dim3A_323 = vector.broadcast %broadcast_in_dim3A_322 : i32 to vector<16xi32>
      %eq3A_324 = arith.cmpf oeq, %get3A_61, %max3A_267 : vector<16xf32>
      %ne3A_325 = arith.cmpi ne, %broadcast_in_dim3A_323, %min3A_187 : vector<16xi32>
      %and3A_326 = arith.andi %eq3A_324, %ne3A_325 : vector<16xi1>
      %select_n3A_327 = arith.select %and3A_326, %broadcast_in_dim3A_323, %broadcast_in_dim3A_7 : vector<16xi1>, vector<16xi32>
      %min3A_328 = arith.minsi %min3A_321, %select_n3A_327 : vector<16xi32>
      %broadcast_in_dim3A_329 = arith.constant 9 : i32
      %broadcast_in_dim3A_330 = vector.broadcast %broadcast_in_dim3A_329 : i32 to vector<16xi32>
      %eq3A_331 = arith.cmpf oeq, %get3A_66, %max3A_267 : vector<16xf32>
      %ne3A_332 = arith.cmpi ne, %broadcast_in_dim3A_330, %min3A_187 : vector<16xi32>
      %and3A_333 = arith.andi %eq3A_331, %ne3A_332 : vector<16xi1>
      %select_n3A_334 = arith.select %and3A_333, %broadcast_in_dim3A_330, %broadcast_in_dim3A_7 : vector<16xi1>, vector<16xi32>
      %min3A_335 = arith.minsi %min3A_328, %select_n3A_334 : vector<16xi32>
      %broadcast_in_dim3A_336 = arith.constant 10 : i32
      %broadcast_in_dim3A_337 = vector.broadcast %broadcast_in_dim3A_336 : i32 to vector<16xi32>
      %eq3A_338 = arith.cmpf oeq, %get3A_71, %max3A_267 : vector<16xf32>
      %ne3A_339 = arith.cmpi ne, %broadcast_in_dim3A_337, %min3A_187 : vector<16xi32>
      %and3A_340 = arith.andi %eq3A_338, %ne3A_339 : vector<16xi1>
      %select_n3A_341 = arith.select %and3A_340, %broadcast_in_dim3A_337, %broadcast_in_dim3A_7 : vector<16xi1>, vector<16xi32>
      %min3A_342 = arith.minsi %min3A_335, %select_n3A_341 : vector<16xi32>
      %broadcast_in_dim3A_343 = arith.constant 11 : i32
      %broadcast_in_dim3A_344 = vector.broadcast %broadcast_in_dim3A_343 : i32 to vector<16xi32>
      %eq3A_345 = arith.cmpf oeq, %get3A_76, %max3A_267 : vector<16xf32>
      %ne3A_346 = arith.cmpi ne, %broadcast_in_dim3A_344, %min3A_187 : vector<16xi32>
      %and3A_347 = arith.andi %eq3A_345, %ne3A_346 : vector<16xi1>
      %select_n3A_348 = arith.select %and3A_347, %broadcast_in_dim3A_344, %broadcast_in_dim3A_7 : vector<16xi1>, vector<16xi32>
      %min3A_349 = arith.minsi %min3A_342, %select_n3A_348 : vector<16xi32>
      %broadcast_in_dim3A_350 = arith.constant 12 : i32
      %broadcast_in_dim3A_351 = vector.broadcast %broadcast_in_dim3A_350 : i32 to vector<16xi32>
      %eq3A_352 = arith.cmpf oeq, %get3A_81, %max3A_267 : vector<16xf32>
      %ne3A_353 = arith.cmpi ne, %broadcast_in_dim3A_351, %min3A_187 : vector<16xi32>
      %and3A_354 = arith.andi %eq3A_352, %ne3A_353 : vector<16xi1>
      %select_n3A_355 = arith.select %and3A_354, %broadcast_in_dim3A_351, %broadcast_in_dim3A_7 : vector<16xi1>, vector<16xi32>
      %min3A_356 = arith.minsi %min3A_349, %select_n3A_355 : vector<16xi32>
      %broadcast_in_dim3A_357 = arith.constant 13 : i32
      %broadcast_in_dim3A_358 = vector.broadcast %broadcast_in_dim3A_357 : i32 to vector<16xi32>
      %eq3A_359 = arith.cmpf oeq, %get3A_86, %max3A_267 : vector<16xf32>
      %ne3A_360 = arith.cmpi ne, %broadcast_in_dim3A_358, %min3A_187 : vector<16xi32>
      %and3A_361 = arith.andi %eq3A_359, %ne3A_360 : vector<16xi1>
      %select_n3A_362 = arith.select %and3A_361, %broadcast_in_dim3A_358, %broadcast_in_dim3A_7 : vector<16xi1>, vector<16xi32>
      %min3A_363 = arith.minsi %min3A_356, %select_n3A_362 : vector<16xi32>
      %broadcast_in_dim3A_364 = arith.constant 14 : i32
      %broadcast_in_dim3A_365 = vector.broadcast %broadcast_in_dim3A_364 : i32 to vector<16xi32>
      %eq3A_366 = arith.cmpf oeq, %get3A_91, %max3A_267 : vector<16xf32>
      %ne3A_367 = arith.cmpi ne, %broadcast_in_dim3A_365, %min3A_187 : vector<16xi32>
      %and3A_368 = arith.andi %eq3A_366, %ne3A_367 : vector<16xi1>
      %select_n3A_369 = arith.select %and3A_368, %broadcast_in_dim3A_365, %broadcast_in_dim3A_7 : vector<16xi1>, vector<16xi32>
      %min3A_370 = arith.minsi %min3A_363, %select_n3A_369 : vector<16xi32>
      %broadcast_in_dim3A_371 = arith.constant 15 : i32
      %broadcast_in_dim3A_372 = vector.broadcast %broadcast_in_dim3A_371 : i32 to vector<16xi32>
      %eq3A_373 = arith.cmpf oeq, %get3A_96, %max3A_267 : vector<16xf32>
      %ne3A_374 = arith.cmpi ne, %broadcast_in_dim3A_372, %min3A_187 : vector<16xi32>
      %and3A_375 = arith.andi %eq3A_373, %ne3A_374 : vector<16xi1>
      %select_n3A_376 = arith.select %and3A_375, %broadcast_in_dim3A_372, %broadcast_in_dim3A_7 : vector<16xi1>, vector<16xi32>
      %min3A_377 = arith.minsi %min3A_370, %select_n3A_376 : vector<16xi32>
      %ge3A = arith.cmpf oge, %max3A_110, %broadcast_in_dim3A_9 : vector<16xf32>
      %select_n3A_378 = arith.select %ge3A, %min3A_187, %broadcast_in_dim3A_5 : vector<16xi1>, vector<16xi32>
      %select_n3A_379 = arith.select %ge3A, %min3A_377, %broadcast_in_dim3A_5 : vector<16xi1>, vector<16xi32>
      %swap3A = arith.index_cast %mul3A_17 : i32 to index
      %swap3A_380 = tpu.vector_load %arg8[%swap3A] {strides = array<i32>} : memref<128xf32, #tpu.memory_space<vmem>>, vector<16xf32>,
      %swap3A_381 = vector.shape_cast %swap3A_380 : vector<16xf32> to vector<16xf32>
      %swap3A_382 = vector.shape_cast %max3A_110 : vector<16xf32> to vector<16xf32>
      tpu.vector_store %arg8[%swap3A], %swap3A_382 {strides = array<i32>} : memref<128xf32, #tpu.memory_space<vmem>>, vector<16xf32>,
      %swap3A_383 = arith.index_cast %mul3A_17 : i32 to index
      %swap3A_384 = tpu.vector_load %arg9[%swap3A_383] {strides = array<i32>} : memref<128xf32, #tpu.memory_space<vmem>>, vector<16xf32>,
      %swap3A_385 = vector.shape_cast %swap3A_384 : vector<16xf32> to vector<16xf32>
      %swap3A_386 = vector.shape_cast %max3A_267 : vector<16xf32> to vector<16xf32>
      tpu.vector_store %arg9[%swap3A_383], %swap3A_386 {strides = array<i32>} : memref<128xf32, #tpu.memory_space<vmem>>, vector<16xf32>,
      %swap3A_387 = arith.index_cast %mul3A_17 : i32 to index
      %swap3A_388 = tpu.vector_load %arg10[%swap3A_387] {strides = array<i32>} : memref<128xi32, #tpu.memory_space<vmem>>, vector<16xi32>,
      %swap3A_389 = vector.shape_cast %swap3A_388 : vector<16xi32> to vector<16xi32>
      %swap3A_390 = vector.shape_cast %select_n3A_378 : vector<16xi32> to vector<16xi32>
      tpu.vector_store %arg10[%swap3A_387], %swap3A_390 {strides = array<i32>} : memref<128xi32, #tpu.memory_space<vmem>>, vector<16xi32>,
      %swap3A_391 = arith.index_cast %mul3A_17 : i32 to index
      %swap3A_392 = tpu.vector_load %arg11[%swap3A_391] {strides = array<i32>} : memref<128xi32, #tpu.memory_space<vmem>>, vector<16xi32>,
      %swap3A_393 = vector.shape_cast %swap3A_392 : vector<16xi32> to vector<16xi32>
      %swap3A_394 = vector.shape_cast %select_n3A_379 : vector<16xi32> to vector<16xi32>
      tpu.vector_store %arg11[%swap3A_391], %swap3A_394 {strides = array<i32>} : memref<128xi32, #tpu.memory_space<vmem>>, vector<16xi32>,
    }
    %scan3A_14 = arith.constant 8 : i32
    "tpu.region"() ({
      %run_scoped3A = tpu.sem_alloc : memref<!tpu.dma_semaphore, #tpu.memory_space<semaphore_mem>>
      %dma_start3A = tpu.memref_slice %arg3[%mul3A_2] : memref<4096xf32, #tpu.memory_space<hbm>> -> memref<128xf32, #tpu.memory_space<hbm>>
      %dma_start3A_15 = tpu.memref_slice %arg3[%mul3A_2] : memref<4096xf32, #tpu.memory_space<hbm>> -> memref<128xf32, #tpu.memory_space<hbm>>
      tpu.enqueue_dma source(%arg8 : memref<128xf32, #tpu.memory_space<vmem>>) target(%dma_start3A_15 : memref<128xf32, #tpu.memory_space<hbm>>) target_semaphore(%run_scoped3A : memref<!tpu.dma_semaphore, #tpu.memory_space<semaphore_mem>>)
      %dma_wait3A = tpu.memref_slice %arg3[%mul3A_2] : memref<4096xf32, #tpu.memory_space<hbm>> -> memref<128xf32, #tpu.memory_space<hbm>>
      %dma_wait3A_16 = tpu.memref_slice %arg3[%mul3A_2] : memref<4096xf32, #tpu.memory_space<hbm>> -> memref<128xf32, #tpu.memory_space<hbm>>
      tpu.wait_dma2 semaphore(%run_scoped3A : memref<!tpu.dma_semaphore, #tpu.memory_space<semaphore_mem>>) src(%arg8 : memref<128xf32, #tpu.memory_space<vmem>>) dst(%dma_wait3A_16 : memref<128xf32, #tpu.memory_space<hbm>>)
      tpu.yield
    }) : () -> ()
    "tpu.region"() ({
      %run_scoped3A = tpu.sem_alloc : memref<!tpu.dma_semaphore, #tpu.memory_space<semaphore_mem>>
      %dma_start3A = tpu.memref_slice %arg4[%mul3A_2] : memref<4096xf32, #tpu.memory_space<hbm>> -> memref<128xf32, #tpu.memory_space<hbm>>
      %dma_start3A_15 = tpu.memref_slice %arg4[%mul3A_2] : memref<4096xf32, #tpu.memory_space<hbm>> -> memref<128xf32, #tpu.memory_space<hbm>>
      tpu.enqueue_dma source(%arg9 : memref<128xf32, #tpu.memory_space<vmem>>) target(%dma_start3A_15 : memref<128xf32, #tpu.memory_space<hbm>>) target_semaphore(%run_scoped3A : memref<!tpu.dma_semaphore, #tpu.memory_space<semaphore_mem>>)
      %dma_wait3A = tpu.memref_slice %arg4[%mul3A_2] : memref<4096xf32, #tpu.memory_space<hbm>> -> memref<128xf32, #tpu.memory_space<hbm>>
      %dma_wait3A_16 = tpu.memref_slice %arg4[%mul3A_2] : memref<4096xf32, #tpu.memory_space<hbm>> -> memref<128xf32, #tpu.memory_space<hbm>>
      tpu.wait_dma2 semaphore(%run_scoped3A : memref<!tpu.dma_semaphore, #tpu.memory_space<semaphore_mem>>) src(%arg9 : memref<128xf32, #tpu.memory_space<vmem>>) dst(%dma_wait3A_16 : memref<128xf32, #tpu.memory_space<hbm>>)
      tpu.yield
    }) : () -> ()
    "tpu.region"() ({
      %run_scoped3A = tpu.sem_alloc : memref<!tpu.dma_semaphore, #tpu.memory_space<semaphore_mem>>
      %dma_start3A = tpu.memref_slice %arg5[%mul3A_2] : memref<4096xi32, #tpu.memory_space<hbm>> -> memref<128xi32, #tpu.memory_space<hbm>>
      %dma_start3A_15 = tpu.memref_slice %arg5[%mul3A_2] : memref<4096xi32, #tpu.memory_space<hbm>> -> memref<128xi32, #tpu.memory_space<hbm>>
      tpu.enqueue_dma source(%arg10 : memref<128xi32, #tpu.memory_space<vmem>>) target(%dma_start3A_15 : memref<128xi32, #tpu.memory_space<hbm>>) target_semaphore(%run_scoped3A : memref<!tpu.dma_semaphore, #tpu.memory_space<semaphore_mem>>)
      %dma_wait3A = tpu.memref_slice %arg5[%mul3A_2] : memref<4096xi32, #tpu.memory_space<hbm>> -> memref<128xi32, #tpu.memory_space<hbm>>
      %dma_wait3A_16 = tpu.memref_slice %arg5[%mul3A_2] : memref<4096xi32, #tpu.memory_space<hbm>> -> memref<128xi32, #tpu.memory_space<hbm>>
      tpu.wait_dma2 semaphore(%run_scoped3A : memref<!tpu.dma_semaphore, #tpu.memory_space<semaphore_mem>>) src(%arg10 : memref<128xi32, #tpu.memory_space<vmem>>) dst(%dma_wait3A_16 : memref<128xi32, #tpu.memory_space<hbm>>)
      tpu.yield
    }) : () -> ()
    "tpu.region"() ({
      %run_scoped3A = tpu.sem_alloc : memref<!tpu.dma_semaphore, #tpu.memory_space<semaphore_mem>>
      %dma_start3A = tpu.memref_slice %arg6[%mul3A_2] : memref<4096xi32, #tpu.memory_space<hbm>> -> memref<128xi32, #tpu.memory_space<hbm>>
      %dma_start3A_15 = tpu.memref_slice %arg6[%mul3A_2] : memref<4096xi32, #tpu.memory_space<hbm>> -> memref<128xi32, #tpu.memory_space<hbm>>
      tpu.enqueue_dma source(%arg11 : memref<128xi32, #tpu.memory_space<vmem>>) target(%dma_start3A_15 : memref<128xi32, #tpu.memory_space<hbm>>) target_semaphore(%run_scoped3A : memref<!tpu.dma_semaphore, #tpu.memory_space<semaphore_mem>>)
      %dma_wait3A = tpu.memref_slice %arg6[%mul3A_2] : memref<4096xi32, #tpu.memory_space<hbm>> -> memref<128xi32, #tpu.memory_space<hbm>>
      %dma_wait3A_16 = tpu.memref_slice %arg6[%mul3A_2] : memref<4096xi32, #tpu.memory_space<hbm>> -> memref<128xi32, #tpu.memory_space<hbm>>
      tpu.wait_dma2 semaphore(%run_scoped3A : memref<!tpu.dma_semaphore, #tpu.memory_space<semaphore_mem>>) src(%arg11 : memref<128xi32, #tpu.memory_space<vmem>>) dst(%dma_wait3A_16 : memref<128xi32, #tpu.memory_space<hbm>>)
      tpu.yield
    }) : () -> ()
    return
  }
}

module attributes {stable_mosaic.version = 14 : i64} {
  func.func @_probs_body(%arg0: i32, %arg1: memref<1024x2048xf32, #tpu.memory_space<vmem>>, %arg2: memref<2048x16xf32, #tpu.memory_space<vmem>>, %arg3: memref<16x1024xf32, #tpu.memory_space<vmem>>) attributes {dimension_semantics = [#tpu.dimension_semantics<arbitrary>], iteration_bounds = array<i64: 4>, scalar_prefetch = 0 : i64, scratch_operands = 0 : i64, tpu.core_type = #tpu.core_type<tc>, window_params = [{transform_indices = @transform_0, window_bounds = array<i64: 1024, 2048>}, {pipeline_mode = #tpu.pipeline_mode<synchronous>, transform_indices = @transform_1, window_bounds = array<i64: 2048, 16>}, {transform_indices = @transform_2, window_bounds = array<i64: 16, 1024>}]} {
    %get3A = arith.constant 0 : index
    %get3A_0 = arith.constant 0 : index
    %get3A_1 = vector.load %arg1[%get3A, %get3A_0] : memref<1024x2048xf32, #tpu.memory_space<vmem>>, vector<1024x2048xf32>
    %get3A_2 = arith.constant 0 : index
    %get3A_3 = arith.constant 0 : index
    %get3A_4 = vector.load %arg2[%get3A_2, %get3A_3] : memref<2048x16xf32, #tpu.memory_space<vmem>>, vector<2048x16xf32>
    %dot_general3A = arith.constant dense<0.000000e+00> : vector<1024x16xf32>
    %dot_general3A_5 = tpu.matmul %get3A_1, %get3A_4, %dot_general3A {dimension_numbers = #tpu.dot_dimension_numbers<[1], [0], [0], [1], [0, 0, 1, 1], [], []>, transpose_lhs_hint = false} : vector<1024x2048xf32>, vector<2048x16xf32>, vector<1024x16xf32> -> vector<1024x16xf32>
    %transpose3A = tpu.transpose %dot_general3A_5, [1, 0] : vector<1024x16xf32> -> vector<16x1024xf32>
    %reduce_max3A = arith.constant dense<0xFF800000> : vector<1024xf32>
    %reduce_max3A_6 = vector.multi_reduction <maximumf>, %transpose3A, %reduce_max3A [0] : vector<16x1024xf32> to vector<1024xf32>
    %broadcast_in_dim3A = vector.shape_cast %reduce_max3A_6 : vector<1024xf32> to vector<1x1024xf32>
    %sub3A = vector.broadcast %broadcast_in_dim3A : vector<1x1024xf32> to vector<16x1024xf32>
    %sub3A_7 = arith.subf %transpose3A, %sub3A : vector<16x1024xf32>
    %exp3A = math.exp %sub3A_7 : vector<16x1024xf32>
    %reduce_sum3A = arith.constant dense<0.000000e+00> : vector<1024xf32>
    %reduce_sum3A_8 = vector.multi_reduction <add>, %exp3A, %reduce_sum3A [0] : vector<16x1024xf32> to vector<1024xf32>
    %broadcast_in_dim3A_9 = vector.shape_cast %reduce_sum3A_8 : vector<1024xf32> to vector<1x1024xf32>
    %div3A = vector.broadcast %broadcast_in_dim3A_9 : vector<1x1024xf32> to vector<16x1024xf32>
    %div3A_10 = arith.divf %exp3A, %div3A : vector<16x1024xf32>
    %swap3A = arith.constant 0 : index
    %swap3A_11 = arith.constant 0 : index
    %swap3A_12 = vector.load %arg3[%swap3A, %swap3A_11] : memref<16x1024xf32, #tpu.memory_space<vmem>>, vector<16x1024xf32>
    tpu.vector_store %arg3[%swap3A, %swap3A_11], %div3A_10 {strides = array<i32>} : memref<16x1024xf32, #tpu.memory_space<vmem>>, vector<16x1024xf32>,
    return
  }
  func.func @transform_0(%arg0: i32) -> (i32, i32) {
    %c0_i32 = arith.constant 0 : i32
    %c0_i32_0 = arith.constant 0 : i32
    return %arg0, %c0_i32 : i32, i32
  }
  func.func @transform_1(%arg0: i32) -> (i32, i32) {
    %c0_i32 = arith.constant 0 : i32
    %c0_i32_0 = arith.constant 0 : i32
    %c0_i32_1 = arith.constant 0 : i32
    return %c0_i32, %c0_i32_0 : i32, i32
  }
  func.func @transform_2(%arg0: i32) -> (i32, i32) {
    %c0_i32 = arith.constant 0 : i32
    %c0_i32_0 = arith.constant 0 : i32
    return %c0_i32, %arg0 : i32, i32
  }
}

</mosaic_0001>

<sc_bundles>
// kernel: kernel.6.cloned.1.call-start
scs
__scs_entry_jumppad:
0x0: {  	(pc) =	sbr.rel $0x88, $3  }
0x1: {  	(tag) =	ssettag $0x0;
	lr =	simm.s32 $0x1  }
0x2: {  	[smem:$0x3F9F] =	sst lr;
	_ =	strace $0xD0000000  }
0x3: {  	_ = 	snop  }
0x4: {  	_ = 	snop  }
0x5: {  	_ = 	snop  }
0x6: {  	_ = 	snop  }
0x7: {  	_ = 	snop  }
__scs_overlays_trampoline_lowered:
0x8: {  	[smem:$0x3FAE] =	sst s0  }
0x9: {  	[smem:$0x3FAF] =	sst s1  }
0xa: {  	[smem:$0x3FB0] =	sst s2  }
0xb: {  	[smem:$0x3FB1] =	sst s3  }
0xc: {  	[smem:$0x3FB2] =	sst s4  }
0xd: {  	[smem:$0x3FB3] =	sst s5  }
0xe: {  	[smem:$0x3FB4] =	sst s6  }
0xf: {  	[smem:$0x3FB5] =	sst s7  }
0x10: {  	[smem:$0x3FB6] =	sst s8  }
0x11: {  	[smem:$0x3FB7] =	sst s9;
	s0 =	simm.s32 @!p0 $0x0  }
0x12: {  	s1 =	sld [smem:$0x3F9D];
	s0 =	simm.s32 @p0 $0x1  }
0x13: {  	[smem:$0x3FB8] =	sst s0;
	s0 =	simm.s32 @!p1 $0x0  }
0x14: {  	s2 =	sld [smem:$0x3F9C];
	s0 =	simm.s32 @p1 $0x1  }
0x15: {  	[smem:$0x3FB9] =	sst s0;
	s0 =	simm.s32 @!p2 $0x0  }
0x16: {  	s3 =	sld [smem:$0x3FDB];
	s0 =	simm.s32 @p2 $0x1  }
0x17: {  	s4 =	simm.s32 $0x1BF5;
	[smem:$0x3FBB] =	sst s0  }
0x18: {  	s0 =	sld [smem:$0x3F9E];
	_ =	swait.ge [sflag:s4], $0x0  }
0x19: {  	s7 =	sld [smem:$0x3F9F]  }
0x1a: {  	s8 =	sadd.s32 $0xFFFFE003, lr  }
0x1b: {  	s9 =	sadd.s32 $0xFFFFFEF7, lr;
	s5 =	simm.s32 $0xFFFFFFFF;
	p2 =	slt.u32 s8, $0xFFFFF086  }
0x1c: {  	p1 =	slt.u32 s9, $0xF7A;
	s5 =	simm.s32 @!p2 $0x0  }
0x1d: {  	s5 =	simm.s32 @p1 $0x1;
	p0 =	seq.s32 s7, s2  }
0x1e: {  	s7 =	smul.u32 @!p0 $0xF7A, s2;
	p2 =	seq.s32 @!p0 s5, $0x0  }
0x1f: {  	s9 =	smul.u32 $0xF7A, s1;
	s8 =	simm.s32 @!p0 $0x1BF5;
	p2 =	por !p2, p0  }
0x20: {  	[sflag:s8] =	ssyncset.s32 @!p0 $0xFFFFF086;
	s6 =	sadd.s32 @!p0 s3, s7;
	s7 =	simm.s32 @!p0 $0x108  }
0x21: {  	s3 =	sadd.s32 s3, s9;
	s6 =	sadd.s32 @!p0 $0x88, s6;
	s7 =	simm.s32 @p2 $0x1082  }
0x22: {  	[simem:s7], [sflag:s8] =	dma.local @!p0 [hbm:s6], $0xF7A  }
0x23: {  	s9 =	sor.u32 $0xD0000000, s2;
	s6 =	simm.s32 $0x108;
	_ =	swait.ge @!p0 [sflag:s8], $0x0  }
0x24: {  	s3 =	sadd.s32 $0x88, s3;
	s6 =	simm.s32 @!p1 $0x1082;
	[sflag:s4] =	ssyncset.s32 $0xFFFFF086  }
0x25: {  	[simem:s6], [sflag:s4] =	dma.local [hbm:s3], $0xF7A  }
0x26: {  	[smem:$0x3F9F] =	sst s1;
	(tag) =	ssettag s2;
	_ =	strace s9  }
0x27: {  	s1 =	sld [smem:$0x3FAF]  }
0x28: {  	s2 =	sld [smem:$0x3FB0]  }
0x29: {  	s4 =	sld [smem:$0x3FB2]  }
0x2a: {  	p0 =	seq.s32 s5, $0x0;
	s5 =	sld [smem:$0x3FB3]  }
0x2b: {  	s6 =	sld [smem:$0x3FB4]  }
0x2c: {  	s7 =	sld [smem:$0x3FB5]  }
0x2d: {  	s3 =	simm.s32 $0x108;
	s8 =	sld [smem:$0x3FB6]  }
0x2e: {  	s3 =	simm.s32 @!p0 $0x1082;
	s9 =	sld [smem:$0x3FB7]  }
0x2f: {  	lr =	sadd.s32 s0, s3;
	s0 =	sld [smem:$0x3FAE]  }
0x30: {  	s3 =	sld [smem:$0x3FB1]  }
0x31: {  	[smem:$0x3FBA] =	sst s10  }
0x32: {  	s10 =	sld [smem:$0x3FB8];
	_ =	sdelay $0x3  }
0x33: {  	p0 =	seq.s32 s10, $0x1;
	s10 =	sld [smem:$0x3FBA];
	_ =	sdelay $0x3  }
0x34: {  	[smem:$0x3FBA] =	sst s10  }
0x35: {  	s10 =	sld [smem:$0x3FB9];
	_ =	sdelay $0x3  }
0x36: {  	p1 =	seq.s32 s10, $0x1;
	s10 =	sld [smem:$0x3FBA];
	_ =	sdelay $0x3  }
0x37: {  	[smem:$0x3FBA] =	sst s10  }
0x38: {  	s10 =	sld [smem:$0x3FBB]  }
0x39: {  	_ = 	snop;
	(pc) =	sbr.ind lr, $3  }
0x3a: {  	_ = 	snop  }
0x3b: {  	_ = 	snop  }
0x3c: {  	p2 =	seq.s32 s10, $0x1;
	s10 =	sld [smem:$0x3FBA]  }
0x3d: {  	_ =	shalt  }
0x3e: {  	_ =	shalt  }
0x3f: {  	_ =	shalt  }
0x40: {  	_ =	shalt  }
0x41: {  	_ =	shalt  }
0x42: {  	_ =	shalt  }
0x43: {  	_ =	shalt  }
0x44: {  	_ =	shalt  }
0x45: {  	_ =	shalt  }
0x46: {  	_ =	shalt  }
0x47: {  	_ =	shalt  }
0x48: {  	_ =	shalt  }
0x49: {  	_ =	shalt  }
0x4a: {  	_ =	shalt  }
0x4b: {  	_ =	shalt  }
0x4c: {  	_ =	shalt  }
0x4d: {  	_ =	shalt  }
0x4e: {  	_ =	shalt  }
0x4f: {  	_ =	shalt  }
0x50: {  	_ =	shalt  }
0x51: {  	_ =	shalt  }
0x52: {  	_ =	shalt  }
0x53: {  	_ =	shalt  }
0x54: {  	_ =	shalt  }
0x55: {  	_ =	shalt  }
0x56: {  	_ =	shalt  }
0x57: {  	_ =	shalt  }
0x58: {  	_ =	shalt  }
0x59: {  	_ =	shalt  }
0x5a: {  	_ =	shalt  }
0x5b: {  	_ =	shalt  }
0x5c: {  	_ =	shalt  }
0x5d: {  	_ =	shalt  }
0x5e: {  	_ =	shalt  }
0x5f: {  	_ =	shalt  }
0x60: {  	_ =	shalt  }
0x61: {  	_ =	shalt  }
0x62: {  	_ =	shalt  }
0x63: {  	_ =	shalt  }
0x64: {  	_ =	shalt  }
0x65: {  	_ =	shalt  }
0x66: {  	_ =	shalt  }
0x67: {  	_ =	shalt  }
0x68: {  	_ =	shalt  }
0x69: {  	_ =	shalt  }
0x6a: {  	_ =	shalt  }
0x6b: {  	_ =	shalt  }
0x6c: {  	_ =	shalt  }
0x6d: {  	_ =	shalt  }
0x6e: {  	_ =	shalt  }
0x6f: {  	_ =	shalt  }
0x70: {  	_ =	shalt  }
0x71: {  	_ =	shalt  }
0x72: {  	_ =	shalt  }
0x73: {  	_ =	shalt  }
0x74: {  	_ =	shalt  }
0x75: {  	_ =	shalt  }
0x76: {  	_ =	shalt  }
0x77: {  	_ =	shalt  }
0x78: {  	_ =	shalt  }
0x79: {  	_ =	shalt  }
0x7a: {  	_ =	shalt  }
0x7b: {  	_ =	shalt  }
0x7c: {  	_ =	shalt  }
0x7d: {  	_ =	shalt  }
0x7e: {  	_ =	shalt  }
0x7f: {  	_ =	shalt  }
0x80: {  	_ =	shalt  }
0x81: {  	_ =	shalt  }
0x82: {  	_ =	shalt  }
0x83: {  	_ =	shalt  }
0x84: {  	_ =	shalt  }
0x85: {  	_ =	shalt  }
0x86: {  	_ =	shalt  }
0x87: {  	_ =	shalt  }
.Lfunc_end0:
.L_simem_size_0:
called_computation_lowered:
.L_overlay_start_0:
0x88: {  	s2 =	sld [smem:$0x3FD9]  }
0x89: {  	s3 =	sld [smem:$0x3FFE];
	_ =	sdelay $0x1  }
0x8a: {  	s1 =	srdreg.scid  }
0x8b: {  	s0 =	sand.u32 $0x1, s1  }
0x8c: {  	s15 =	sshll.u32 s0, $0xA;
	s2 =	sadd.s32 s3, s2  }
0x8d: {  	s2 =	sadd.s32 s2, s15  }
0x8e: {  	[smem:$0x3FC6] =	sst s2  }
0x8f: {  	_ = 	snop  }
0x90: {  	s2 =	sld [smem:$0x3FD0];
	_ =	sdelay $0x2  }
0x91: {  	s16 =	simm.s32 $0xB;
	s4 =	simm.s32 $0x10  }
0x92: {  	[smem:s4], [sflag:s16] =	dma.local [hbm:s2], $0x1  }
0x93: {  	_ =	swait.eq [sflag:s16], $0x1  }
0x94: {  	[sflag:s16] =	ssyncset.done $0x0  }
0x95: {  	[sflag:s16] =	ssyncadd.s32 $0xFFFFFFFF  }
0x96: {  	s17 =	sld [smem:$0x11];
	(tm) =	ssettm $0x1  }
0x97: {  	s18 =	sld [smem:$0x3FFB];
	_ =	sdelay $0x3  }
0x98: {  	_ =	strace s18  }
0x99: {  	s2 =	sld [smem:$0x3FFC];
	_ =	sdelay $0x3  }
0x9a: {  	_ =	strace s2  }
0x9b: {  	s2 =	sld [smem:$0x3FFD];
	_ =	sdelay $0x3  }
0x9c: {  	_ =	strace s2  }
0x9d: {  	_ =	strace $0x8FFFFFFF  }
0x9e: {  	s19 =	sld [smem:$0x3FDB];
	_ =	sdelay $0x1  }
0x9f: {  	s20 =	simm.s32 $_scs_section_size  }
0xa0: {  	s5 =	simm.s32 $_size__tile_overlayer_lowered;
	s6 =	simm.s32 $_tile_overlayer_lowered  }
0xa1: {  	s7 =	simm.s32 $0x1BFF;
	s21 =	sshll.u32 s6, $0x1;
	s4 =	sadd.s32 s20, s19  }
0xa2: {  	s22 =	simm.s32 $0x0;
	s5 =	sshll.u32 s5, $0x1;
	s6 =	sadd.s32 s21, s4  }
0xa3: {  	[timem:s22], [sflag:s7] =	dma.local [hbm:s6], s5  }
0xa4: {  	_ =	swait.ge [sflag:s7], s5  }
0xa5: {  	s5 =	ssub.s32 $0x0, s5;
	[sflag:s7] =	ssyncset.done $0x0  }
0xa6: {  	[sflag:s7] =	ssyncadd.s32 s5;
	_ =	sdelay $0x1  }
0xa7: {  	s23 =	simm.s32 $0x1B8B  }
0xa8: {  	_ =	swait.ge [sflag:s23], $0x1  }
0xa9: {  	[sflag:s23] =	ssyncset.done $0x0  }
0xaa: {  	[sflag:s23] =	ssyncadd.s32 $0xFFFFFFFF  }
0xab: {  	s5 =	sld [smem:$0x0]  }
0xac: {  	s6 =	sand.u32 $0xFFFFFFFE, s1  }
0xad: {  	p0 =	sne.s32 s1, s6  }
0xae: {  	s6 =	sshll.u32 @p0 s6, $0xE  }
0xaf: {  	s6 =	sadd.s32 @p0 $0x11B8D, s6;
	s7 =	sshll.u32 @p0 s5, $0x11  }
0xb0: {  	s6 =	sor.u32 @p0 s7, s6  }
0xb1: {  	[sflag:s6] =	ssyncadd.remote.s32 @p0 $0x1;
	_ =	sdelay $0x1  }
0xb2: {  	s6 =	simm.s32 @p0 $0x1B8D  }
0xb3: {  	_ =	swait.eq @p0 [sflag:s6], $0x1  }
0xb4: {  	[sflag:s6] =	ssyncadd.s32 @p0 $0xFFFFFFFF  }
0xb5: {  	s7 =	sshll.u32 @!p0 s1, $0xE  }
0xb6: {  	s7 =	sor.u32 @!p0 $0x4000, s7;
	s6 =	simm.s32 @!p0 $0x1B8D  }
0xb7: {  	s5 =	sshll.u32 @!p0 s5, $0x11;
	s7 =	sadd.s32 @!p0 $0x11B8D, s7;
	_ =	swait.eq @!p0 [sflag:s6], $0x1  }
0xb8: {  	s5 =	sor.u32 @!p0 s5, s7;
	[sflag:s6] =	ssyncadd.s32 @!p0 $0xFFFFFFFF  }
0xb9: {  	s25 =	simm.s32 $0x1B8E;
	s24 =	sld [smem:$0x3FFE];
	[sflag:s5] =	ssyncadd.remote.s32 @!p0 $0x1  }
0xba: {  	s26 =	simm.s32 $execute0_lowered;
	[smem:$0x3FD2] =	sst s25  }
0xbb: {  	s6 =	sshll.u32 s26, $0x1;
	_ =	strace $0x80000049;
	[dreg:$0x1] =	wrdreg $0xFFFFFFFF  }
0xbc: {  	s28 =	simm.s32 $_size_execute0_lowered;
	s4 =	sadd.s32 s4, s6;
	[dreg:$0x0] =	wrdreg $0x0  }
0xbd: {  	s6 =	sshll.u32 s28, $0x1;
	[dreg:$0x2] =	wrdreg s4  }
0xbe: {  	[dreg:$0x3] =	wrdreg s6  }
0xbf: {  	[dreg:$0x4] =	wrdreg $0xC0  }
0xc0: {  	_ =	task [dreg:s22], $0x5FFFF  }
0xc1: {  	[dreg:$0x1] =	wrdreg $0xFFFFFFFF  }
0xc2: {  	[dreg:$0x0] =	wrdreg $0x60  }
0xc3: {  	[dreg:$0x2] =	wrdreg s24  }
0xc4: {  	[dreg:$0x3] =	wrdreg s17  }
0xc5: {  	[dreg:$0x4] =	wrdreg $0x9  }
0xc6: {  	_ =	task.clear_ibuf [dreg:s22], $0x5FFFF;
	_ =	strace $0x90000049  }
0xc7: {  	s29 =	simm.s32 $0x9;
	_ =	strace $0x8000004B  }
0xc8: {  	_ =	swait.ge [sflag:s29], $0x1  }
0xc9: {  	[sflag:s29] =	ssyncadd.s32 $0xFFFFFFFF  }
0xca: {  	_ =	strace $0x9000004B  }
0xcb: {  	_ =	sfence  }
0xcc: {  	s30 =	sld [smem:$0x0];
	_ =	sdelay $0x2  }
0xcd: {  	s31 =	sshll.u32 s1, $0xD;
	s1 =	sshrl.u32 s1, $0x2  }
0xce: {  	s4 =	sand.u32 $0x4000, s31;
	s1 =	sadd.s32 s1, s30  }
0xcf: {  	s0 =	sor.u32 s4, s0;
	s1 =	sshll.u32 s1, $0x11  }
0xd0: {  	s0 =	sor.u32 s1, s0  }
0xd1: {  	s0 =	sadd.s32 $0x8F2B, s0  }
0xd2: {  	[sflag:s0] =	ssyncadd.remote.s32 $0x1  }
0xd3: {  	_ =	sfence.sel $0xFFFF  }
0xd4: {  	[dreg:$0x0] =	wrdreg $0xFFFFFFFF;
	(pc) =	sbr.abs _section_cstart, $3  }
0xd5: {  	[dreg:$0x1] =	wrdreg $0xFFFFFFFF  }
0xd6: {  	_ =	task.clear_ibuf [dreg:s22], $0x2FFFF;
	_ =	strace $0x9FFFFFFF  }
0xd7: {  	(tm) =	ssettm $0x7FFFFFFF  }
tec
execute0_lowered:
.L_overlay_start_1:
0x0: {  	(tag) =	ssettag $0x1  }
0x1: {  	s3 =	rddreg [dreg:$0x0]  }
0x2: {  	s4 =	rddreg [dreg:$0x1]  }
0x3: {  	s0 =	rddreg [dreg:$0x2];
	s2 =	simm.s32 $0x0;
	s5 =	srdreg.scid  }
0x4: {  	s1 =	stileid.u32;
	s10 =	simm.s32 $0x8000;
	s11 =	simm.s32 $0x1  }
0x5: {  	s12 =	simm.s32 $0x800;
	s13 =	simm.s32 $0x880;
	s14 =	simm.s32 $0x900  }
0x6: {  	s15 =	simm.s32 $0x980;
	s5 =	sand.u32 $0x1, s5;
	s6 =	sshll.u32 s1, $0x1  }
0x7: {  	s16 =	simm.s32 $0x0;
	[smem:$0x7FF] =	sst s2;
	s6 =	sor.u32 s5, s6  }
0x8: {  	_ =	strace $0x8000004A;
	s5 =	ssub.s32 $0x2, s5;
	s7 =	sshll.u32 s6, $0x7  }
0x9: {  	s6 =	sshll.u32 s6, $0x4;
	s31 =	sshrl.u32 s5, $0x1;
	s7 =	sadd.s32 s7, s3  }
0xa: {  	s8 =	sadd.s32 s6, s3;
	s9 =	ssub.s32 s5, s31;
	s4 =	sadd.s32 s4, s6  }
0xb: {  	s3 =	sadd.s32 $0x3C00, s7;
	s5 =	sadd.s32 $0x5C00, s8;
	s6 =	sadd.s32 $0x5E00, s8  }
0xc: {  	v0 =	vimm.s32 $0x10;
	s7 =	sadd.s32 $0x6000, s8;
	s8 =	smax.u32 s9, $0x1;
	s9 =	simm.s32 $0x400  }
.LBB2_1:
0xd: {  	[tilespmem:s2], [sflag:$0x1] =	stream.strided.gather [hbm4b:s3+s9], $0x800, s10, s9, $0x38;
	[tilespmem:$0xA00] =	vst v63  }
0xe: {  	_ =	swait.ge [sflag:s11], $0x800  }
0xf: {  	[sflag:s11] =	ssyncset.done $0x0  }
0x10: {  	s17 =	simm.s32 $0x0;
	[sflag:s11] =	ssyncadd.s32 $0xFFFFF800  }
0x11: {  	v8 =	vld [tilespmem:s17+$0x0]  }
0x12: {  	v9 =	vld [tilespmem:s17+$0x80]  }
0x13: {  	v11 =	vld [tilespmem:s17+$0x100]  }
0x14: {  	v12 =	vld [tilespmem:s17+$0x180]  }
0x15: {  	v14 =	vld [tilespmem:s17+$0x200]  }
0x16: {  	v16 =	vld [tilespmem:s17+$0x280]  }
0x17: {  	v18 =	vld [tilespmem:s17+$0x300];
	v1 =	vmax.f32 v8, v9  }
0x18: {  	v19 =	vld [tilespmem:s17+$0x380];
	v1 =	vmax.f32 v1, v11  }
0x19: {  	v20 =	vld [tilespmem:s17+$0x400];
	v1 =	vmax.f32 v1, v12  }
0x1a: {  	v22 =	vld [tilespmem:s17+$0x480];
	v1 =	vmax.f32 v1, v14  }
0x1b: {  	v23 =	vld [tilespmem:s17+$0x500];
	v1 =	vmax.f32 v1, v16  }
0x1c: {  	v24 =	vld [tilespmem:s17+$0x580];
	v1 =	vmax.f32 v1, v18  }
0x1d: {  	v26 =	vld [tilespmem:s17+$0x600];
	v1 =	vmax.f32 v1, v19  }
0x1e: {  	v27 =	vld [tilespmem:s17+$0x680];
	v1 =	vmax.f32 v1, v20  }
0x1f: {  	v28 =	vld [tilespmem:s17+$0x700];
	v1 =	vmax.f32 v1, v22  }
0x20: {  	v32 =	vld [tilespmem:s17+$0x780];
	v1 =	vmax.f32 v1, v23  }
0x21: {  	v1 =	vmax.f32 v1, v24  }
0x22: {  	s18 =	simm.s32 $0x10;
	v1 =	vmax.f32 v1, v26  }
0x23: {  	v2 =	vld [tilespmem:s18+$0x0];
	v3 =	vmax.f32 v1, v27  }
0x24: {  	v1 =	vld [tilespmem:s18+$0x80];
	v4 =	vmax.f32 v3, v28  }
0x25: {  	v3 =	vld [tilespmem:s18+$0x100];
	v6 =	vmax.f32 v4, v32  }
0x26: {  	v4 =	vld [tilespmem:s18+$0x180];
	vm0 =	veq.f32 v32, v6;
	[tilespmem:s17+$0x800] =	vst v6  }
0x27: {  	vm1 =	veq.f32 v28, v6;
	v5 =	vld [tilespmem:s18+$0x200];
	v10 =	vsel vm0, $0xF, v0  }
0x28: {  	v36 =	vimm.s32 $0x0;
	v7 =	vld [tilespmem:s18+$0x280];
	vm0 =	veq.f32 v27, v6;
	v13 =	vsel vm1, $0xE, v10  }
0x29: {  	v10 =	vld [tilespmem:s18+$0x300];
	v15 =	vmax.f32 v2, v1;
	vm1 =	veq.f32 v26, v6;
	v17 =	vsel vm0, $0xD, v13  }
0x2a: {  	v13 =	vld [tilespmem:s18+$0x380];
	v15 =	vmax.f32 v15, v3;
	vm0 =	veq.f32 v24, v6;
	v21 =	vsel vm1, $0xC, v17  }
0x2b: {  	v17 =	vld [tilespmem:s18+$0x400];
	v15 =	vmax.f32 v15, v4;
	vm1 =	veq.f32 v23, v6;
	v25 =	vsel vm0, $0xB, v21  }
0x2c: {  	v21 =	vld [tilespmem:s18+$0x480];
	vm0 =	veq.f32 v22, v6;
	v15 =	vmax.f32 v15, v5;
	v29 =	vsel vm1, $0xA, v25  }
0x2d: {  	v25 =	vld [tilespmem:s18+$0x500];
	vm1 =	veq.f32 v20, v6;
	v15 =	vmax.f32 v15, v7;
	v30 =	vsel vm0, $0x9, v29  }
0x2e: {  	v29 =	vld [tilespmem:s18+$0x580];
	vm0 =	veq.f32 v19, v6;
	v15 =	vmax.f32 v15, v10;
	v31 =	vsel vm1, $0x8, v30  }
0x2f: {  	v30 =	vld [tilespmem:s18+$0x600];
	vm1 =	veq.f32 v18, v6;
	v15 =	vmax.f32 v15, v13;
	v33 =	vsel vm0, $0x7, v31  }
0x30: {  	v31 =	vld [tilespmem:s18+$0x680];
	vm0 =	veq.f32 v16, v6;
	v15 =	vmax.f32 v15, v17;
	v34 =	vsel vm1, $0x6, v33  }
0x31: {  	v33 =	vld [tilespmem:s18+$0x700];
	vm1 =	veq.f32 v14, v6;
	v15 =	vmax.f32 v15, v21;
	v34 =	vsel vm0, $0x5, v34  }
0x32: {  	vm0 =	veq.f32 v12, v6;
	v15 =	vmax.f32 v15, v25;
	v34 =	vsel vm1, $0x4, v34  }
0x33: {  	vm1 =	veq.f32 v11, v6;
	v15 =	vmax.f32 v15, v29;
	v34 =	vsel vm0, $0x3, v34  }
0x34: {  	vm0 =	veq.f32 v9, v6;
	v15 =	vmax.f32 v15, v30;
	v34 =	vsel vm1, $0x2, v34  }
0x35: {  	vm1 =	veq.f32 v8, v6;
	v15 =	vmax.f32 v15, v31;
	v35 =	vsel vm0, $0x1, v34  }
0x36: {  	v48 =	vimm.s32 $0x0;
	v34 =	vmax.f32 v15, v33;
	v15 =	vsel vm1, $0x0, v35  }
0x37: {  	v47 =	vmax.f32 v8, $-1.000000000e+00;
	vm0 =	vne.s32 v15, $0x0;
	vm2 =	vne.s32 v15, $0x2  }
0x38: {  	vm3 =	vne.s32 v15, $0x3;
	vm4 =	vne.s32 v15, $0x4;
	vm5 =	vne.s32 v15, $0x5  }
0x39: {  	vm6 =	vne.s32 v15, $0x6;
	vm7 =	vne.s32 v15, $0x7;
	vm8 =	vne.s32 v15, $0x8  }
0x3a: {  	vm10 =	veq.s32 v15, $0x0;
	vm11 =	veq.s32 v15, $0x1;
	vm9 =	vne.s32 v15, $0x9  }
0x3b: {  	vm12 =	vne.s32 v15, $0xC;
	v36 =	vsel vm0, $0xFFFFFFFF, v36;
	vm0 =	vne.s32 v15, $0x1  }
0x3c: {  	v35 =	vsel vm10, $0xBF800000, v47;
	v49 =	vsel vm11, $0xBF800000, v9;
	vm10 =	veq.s32 v15, $0x2  }
0x3d: {  	v35 =	vmax.f32 v35, v49;
	v50 =	vsel vm10, $0xBF800000, v11;
	vm10 =	veq.s32 v15, $0x3  }
0x3e: {  	v35 =	vmax.f32 v35, v50;
	v51 =	vsel vm10, $0xBF800000, v12;
	vm10 =	veq.s32 v15, $0x4  }
0x3f: {  	v35 =	vmax.f32 v35, v51;
	v52 =	vsel vm10, $0xBF800000, v14;
	vm10 =	veq.s32 v15, $0x5  }
0x40: {  	v35 =	vmax.f32 v35, v52;
	v53 =	vsel vm10, $0xBF800000, v16;
	vm10 =	veq.s32 v15, $0x6  }
0x41: {  	v35 =	vmax.f32 v35, v53;
	v54 =	vsel vm10, $0xBF800000, v18;
	vm10 =	veq.s32 v15, $0x7  }
0x42: {  	v35 =	vmax.f32 v35, v54;
	v55 =	vsel vm10, $0xBF800000, v19;
	vm10 =	veq.s32 v15, $0x8  }
0x43: {  	v35 =	vmax.f32 v35, v55;
	v56 =	vsel vm10, $0xBF800000, v20;
	vm10 =	veq.s32 v15, $0x9  }
0x44: {  	v35 =	vmax.f32 v35, v56;
	v57 =	vsel vm10, $0xBF800000, v22;
	vm10 =	veq.s32 v15, $0xA  }
0x45: {  	v35 =	vmax.f32 v35, v57;
	v58 =	vsel vm10, $0xBF800000, v23;
	vm10 =	veq.s32 v15, $0xB  }
0x46: {  	v35 =	vmax.f32 v35, v58;
	v59 =	vsel vm10, $0xBF800000, v24;
	vm10 =	veq.s32 v15, $0xC  }
0x47: {  	v35 =	vmax.f32 v35, v59;
	v60 =	vsel vm10, $0xBF800000, v26;
	vm10 =	veq.s32 v15, $0xD  }
0x48: {  	v35 =	vmax.f32 v35, v60;
	v61 =	vsel vm10, $0xBF800000, v27;
	vm10 =	veq.s32 v15, $0xE  }
0x49: {  	v35 =	vmax.f32 v35, v61;
	v62 =	vsel vm10, $0xBF800000, v28;
	vm10 =	veq.s32 v15, $0xF  }
0x4a: {  	[tilespmem:$0x1FFE0] =	vst v36;
	v36 =	vsel vm0, $0xFFFFFFFF, v48;
	v35 =	vmax.f32 v35, v62;
	v63 =	vsel vm10, $0xBF800000, v32  }
0x4b: {  	s19 =	simm.s32 $0x80;
	vm11 =	vne.s32 v15, $0xB;
	[tilespmem:$0x1FFF0] =	vst v36;
	vm10 =	vne.s32 v15, $0xA;
	v35 =	vmax.f32 v35, v63  }
.LBB2_2:
0x4c: {  	vm13 =	vne.s32 v15, $0xD;
	vm14 =	veq.f32 v32, v35;
	vm15 =	vne.s32 v15, $0xF  }
0x4d: {  	vm0 =	veq.f32 v28, v35;
	vm1 =	vne.s32 v15, $0xE;
	vm14 =	vmand vm15, vm14  }
0x4e: {  	vm15 =	veq.f32 v27, v35;
	vm0 =	vmand vm1, vm0;
	v43 =	vsel vm14, $0xF, v0  }
0x4f: {  	v27 =	vmovc v31;
	vm1 =	veq.f32 v26, v35;
	vm13 =	vmand vm13, vm15;
	v31 =	vsel vm0, $0xE, v43  }
0x50: {  	v26 =	vmovc v30;
	vm1 =	vmand vm12, vm1;
	vm0 =	veq.f32 v24, v35;
	v30 =	vsel vm13, $0xD, v31  }
0x51: {  	vm12 =	veq.f32 v23, v35;
	v24 =	vmovc v29;
	vm0 =	vmand vm11, vm0;
	v29 =	vsel vm1, $0xC, v30  }
0x52: {  	v23 =	vmovc v25;
	vm10 =	vmand vm10, vm12;
	vm1 =	veq.f32 v22, v35;
	v25 =	vsel vm0, $0xB, v29  }
0x53: {  	v22 =	vmovc v21;
	vm0 =	veq.f32 v20, v35;
	vm1 =	vmand vm9, vm1;
	v21 =	vsel vm10, $0xA, v25  }
0x54: {  	v20 =	vmovc v17;
	vm9 =	veq.f32 v19, v35;
	vm0 =	vmand vm8, vm0;
	v17 =	vsel vm1, $0x9, v21  }
0x55: {  	v19 =	vmovc v13;
	vm7 =	vmand vm7, vm9;
	vm1 =	veq.f32 v18, v35;
	v13 =	vsel vm0, $0x8, v17  }
0x56: {  	v18 =	vmovc v10;
	vm0 =	veq.f32 v16, v35;
	vm1 =	vmand vm6, vm1;
	v10 =	vsel vm7, $0x7, v13  }
0x57: {  	v16 =	vmovc v7;
	vm6 =	veq.f32 v14, v35;
	vm0 =	vmand vm5, vm0;
	v7 =	vsel vm1, $0x6, v10  }
0x58: {  	v14 =	vmovc v5;
	vm4 =	vmand vm4, vm6;
	vm1 =	veq.f32 v12, v35;
	v5 =	vsel vm0, $0x5, v7  }
0x59: {  	v12 =	vmov v4;
	vm1 =	vmand vm3, vm1;
	v4 =	vsel vm4, $0x4, v5  }
0x5a: {  	vm0 =	veq.f32 v11, v35;
	v11 =	vmov v3;
	v3 =	vsel vm1, $0x3, v4;
	v4 =	vld [tilespmem:$0x1FFF0]  }
0x5b: {  	[tilespmem:s17+$0x880] =	vst v35;
	v5 =	vld [tilespmem:$0x1FFE0]  }
0x5c: {  	v32 =	vld [tilespmem:s18+$0x780];
	_ =	sdelay $0x1  }
0x5d: {  	s20 =	sshra.s32 s19, $0x2;
	v36 =	vimm.s32 $0x0;
	vm3 =	veq.f32 v9, v35  }
0x5e: {  	v10 =	vld [tilespmem:s20+$0x0];
	vm0 =	vmand vm2, vm0;
	vm1 =	veq.f32 v8, v35;
	vm2 =	vnez.u8 v4  }
0x5f: {  	v9 =	vmovc v1;
	v1 =	vld [tilespmem:s20+$0x80];
	v4 =	vsel vm0, $0x2, v3;
	vm0 =	vnez.u8 v5;
	vm2 =	vmand vm2, vm3  }
0x60: {  	v8 =	vmovc v2;
	v2 =	vmax.f32 v34, v32;
	v3 =	vld [tilespmem:s20+$0x100];
	vm0 =	vmand vm0, vm1;
	v5 =	vsel vm2, $0x1, v4  }
0x61: {  	v28 =	vmovc v33;
	vm1 =	veq.f32 v32, v2;
	v4 =	vld [tilespmem:s20+$0x180];
	[tilespmem:s18+$0x800] =	vst v2;
	v7 =	vsel vm0, $0x0, v5;
	vm0 =	vge.f32 v6, $6.999999880e-01;
	v6 =	vmovc v2  }
0x62: {  	v21 =	vsel vm1, $0xF, v0;
	v5 =	vld [tilespmem:s20+$0x200];
	vm2 =	veq.f32 v28, v6;
	v13 =	vnsel vm0, $0xFFFFFFFF, v7  }
0x63: {  	v2 =	vmovc v10;
	v7 =	vld [tilespmem:s20+$0x280];
	vm1 =	veq.f32 v27, v6;
	v15 =	vnsel vm0, $0xFFFFFFFF, v15;
	v17 =	vsel vm2, $0xE, v21;
	[tilespmem:s17+$0x980] =	vst v13  }
0x64: {  	vm0 =	veq.f32 v26, v6;
	v21 =	vmax.f32 v2, v1;
	v10 =	vld [tilespmem:s20+$0x300];
	v17 =	vsel vm1, $0xD, v17;
	[tilespmem:s17+$0x900] =	vst v15;
	s17 =	smov.u32 s18;
	s18 =	smov.u32 s20  }
0x65: {  	v15 =	vmax.f32 v21, v3;
	vm1 =	veq.f32 v24, v6;
	v13 =	vld [tilespmem:s18+$0x380];
	v21 =	vsel vm0, $0xC, v17  }
0x66: {  	v17 =	vld [tilespmem:s18+$0x400];
	v15 =	vmax.f32 v15, v4;
	vm0 =	veq.f32 v23, v6;
	v25 =	vsel vm1, $0xB, v21  }
0x67: {  	v21 =	vld [tilespmem:s18+$0x480];
	v15 =	vmax.f32 v15, v5;
	vm1 =	veq.f32 v22, v6;
	v29 =	vsel vm0, $0xA, v25  }
0x68: {  	v25 =	vld [tilespmem:s18+$0x500];
	v15 =	vmax.f32 v15, v7;
	vm0 =	veq.f32 v20, v6;
	v30 =	vsel vm1, $0x9, v29  }
0x69: {  	v29 =	vld [tilespmem:s18+$0x580];
	vm1 =	veq.f32 v19, v6;
	v15 =	vmax.f32 v15, v10;
	v31 =	vsel vm0, $0x8, v30  }
0x6a: {  	v30 =	vld [tilespmem:s18+$0x600];
	vm0 =	veq.f32 v18, v6;
	v15 =	vmax.f32 v15, v13;
	v44 =	vsel vm1, $0x7, v31  }
0x6b: {  	v31 =	vld [tilespmem:s18+$0x680];
	vm1 =	veq.f32 v16, v6;
	v15 =	vmax.f32 v15, v17;
	v45 =	vsel vm0, $0x6, v44  }
0x6c: {  	v33 =	vld [tilespmem:s18+$0x700];
	vm0 =	veq.f32 v14, v6;
	v15 =	vmax.f32 v15, v21;
	v34 =	vsel vm1, $0x5, v45  }
0x6d: {  	vm1 =	veq.f32 v12, v6;
	v15 =	vmax.f32 v15, v25;
	v34 =	vsel vm0, $0x4, v34  }
0x6e: {  	vm0 =	veq.f32 v11, v6;
	v15 =	vmax.f32 v15, v29;
	v34 =	vsel vm1, $0x3, v34  }
0x6f: {  	vm1 =	veq.f32 v9, v6;
	v15 =	vmax.f32 v15, v30;
	v34 =	vsel vm0, $0x2, v34  }
0x70: {  	vm0 =	veq.f32 v8, v6;
	v15 =	vmax.f32 v15, v31;
	v46 =	vsel vm1, $0x1, v34  }
0x71: {  	v48 =	vimm.s32 $0x0;
	v34 =	vmax.f32 v15, v33;
	v15 =	vsel vm0, $0x0, v46  }
0x72: {  	v47 =	vmax.f32 v8, $-1.000000000e+00;
	vm0 =	vne.s32 v15, $0x0;
	vm2 =	vne.s32 v15, $0x2  }
0x73: {  	vm3 =	vne.s32 v15, $0x3;
	vm4 =	vne.s32 v15, $0x4;
	vm5 =	vne.s32 v15, $0x5  }
0x74: {  	vm6 =	vne.s32 v15, $0x6;
	vm7 =	vne.s32 v15, $0x7;
	vm8 =	vne.s32 v15, $0x8  }
0x75: {  	vm1 =	veq.s32 v15, $0x1;
	v36 =	vsel vm0, $0xFFFFFFFF, v36;
	vm0 =	vne.s32 v15, $0x1  }
0x76: {  	vm9 =	vne.s32 v15, $0x9;
	[tilespmem:$0x1FFE0] =	vst v36;
	v36 =	vsel vm0, $0xFFFFFFFF, v48;
	vm0 =	veq.s32 v15, $0x0  }
0x77: {  	v49 =	vsel vm1, $0xBF800000, v9;
	v35 =	vsel vm0, $0xBF800000, v47;
	vm0 =	veq.s32 v15, $0x2  }
0x78: {  	v35 =	vmax.f32 v35, v49;
	v50 =	vsel vm0, $0xBF800000, v11;
	vm0 =	veq.s32 v15, $0x3  }
0x79: {  	v35 =	vmax.f32 v35, v50;
	v51 =	vsel vm0, $0xBF800000, v12;
	vm0 =	veq.s32 v15, $0x4  }
0x7a: {  	v35 =	vmax.f32 v35, v51;
	v52 =	vsel vm0, $0xBF800000, v14;
	vm0 =	veq.s32 v15, $0x5  }
0x7b: {  	v35 =	vmax.f32 v35, v52;
	v53 =	vsel vm0, $0xBF800000, v16;
	vm0 =	veq.s32 v15, $0x6  }
0x7c: {  	v35 =	vmax.f32 v35, v53;
	v54 =	vsel vm0, $0xBF800000, v18;
	vm0 =	veq.s32 v15, $0x7  }
0x7d: {  	v35 =	vmax.f32 v35, v54;
	v55 =	vsel vm0, $0xBF800000, v19;
	vm0 =	veq.s32 v15, $0x8  }
0x7e: {  	v35 =	vmax.f32 v35, v55;
	v56 =	vsel vm0, $0xBF800000, v20;
	vm0 =	veq.s32 v15, $0x9  }
0x7f: {  	v35 =	vmax.f32 v35, v56;
	v57 =	vsel vm0, $0xBF800000, v22;
	vm0 =	veq.s32 v15, $0xA  }
0x80: {  	v35 =	vmax.f32 v35, v57;
	v58 =	vsel vm0, $0xBF800000, v23;
	vm0 =	veq.s32 v15, $0xB  }
0x81: {  	p0 =	sne.s32 s19, $0x1C0;
	v35 =	vmax.f32 v35, v58;
	v59 =	vsel vm0, $0xBF800000, v24;
	vm0 =	veq.s32 v15, $0xC  }
.Ltmp0:
0x82: {  	v35 =	vmax.f32 v35, v59;
	v60 =	vsel vm0, $0xBF800000, v26;
	vm0 =	veq.s32 v15, $0xD;
	(pc) =	sbr.rel @p0 .LBB2_2-.Ltmp0, $4  }
0x83: {  	v35 =	vmax.f32 v35, v60;
	v61 =	vsel vm0, $0xBF800000, v27;
	vm0 =	veq.s32 v15, $0xE  }
0x84: {  	v35 =	vmax.f32 v35, v61;
	v62 =	vsel vm0, $0xBF800000, v28;
	vm0 =	veq.s32 v15, $0xF  }
0x85: {  	vm10 =	vne.s32 v15, $0xA;
	v35 =	vmax.f32 v35, v62;
	v63 =	vsel vm0, $0xBF800000, v32  }
0x86: {  	s19 =	sadd.s32 $0x40, s19;
	vm11 =	vne.s32 v15, $0xB;
	vm12 =	vne.s32 v15, $0xC;
	[tilespmem:$0x1FFF0] =	vst v36;
	v35 =	vmax.f32 v35, v63  }
0x87: {  	vm0 =	veq.f32 v32, v35;
	vm1 =	vne.s32 v15, $0xF;
	vm13 =	vne.s32 v15, $0xD  }
0x88: {  	vm14 =	vne.s32 v15, $0xE;
	vm0 =	vmand vm1, vm0;
	vm1 =	veq.f32 v28, v35  }
0x89: {  	vm15 =	veq.f32 v27, v35;
	vm1 =	vmand vm14, vm1;
	v59 =	vsel vm0, $0xF, v0  }
0x8a: {  	vm0 =	vmand vm13, vm15;
	vm13 =	veq.f32 v26, v35;
	vm15 =	veq.f32 v23, v35  }
0x8b: {  	v60 =	vsel vm1, $0xE, v59;
	vm1 =	veq.f32 v24, v35;
	vm12 =	vmand vm12, vm13  }
0x8c: {  	[tilespmem:s17+$0x880] =	vst v35;
	v45 =	vld [tilespmem:$0x1FFE0];
	v61 =	vsel vm0, $0xD, v60;
	vm14 =	vmand vm11, vm1;
	vm1 =	vmand vm10, vm15  }
0x8d: {  	v26 =	vld [tilespmem:s18+$0x780];
	vm15 =	veq.f32 v19, v35;
	vm10 =	veq.f32 v14, v35;
	v62 =	vsel vm12, $0xC, v61  }
0x8e: {  	v42 =	vld [tilespmem:$0x1FFF0];
	vm12 =	veq.f32 v22, v35;
	vm11 =	vmand vm7, vm15;
	vm0 =	vmand vm4, vm10  }
0x8f: {  	vm10 =	veq.f32 v11, v35;
	v63 =	vsel vm14, $0xB, v62;
	vm13 =	vmand vm9, vm12  }
0x90: {  	vm14 =	veq.f32 v20, v35;
	vm12 =	veq.f32 v18, v35;
	vm2 =	vmand vm2, vm10  }
0x91: {  	vm10 =	vnez.u8 v45;
	v24 =	vsel vm1, $0xA, v63;
	vm8 =	vmand vm8, vm14  }
0x92: {  	v28 =	vmax.f32 v34, v26;
	vm1 =	vmand vm6, vm12;
	vm14 =	veq.f32 v16, v35  }
0x93: {  	vm6 =	vnez.u8 v42;
	v27 =	vsel vm13, $0x9, v24;
	vm13 =	veq.f32 v26, v28  }
0x94: {  	vm15 =	veq.f32 v33, v28;
	vm5 =	vmand vm5, vm14;
	v32 =	vsel vm13, $0xF, v0  }
0x95: {  	v19 =	vsel vm8, $0x8, v27;
	vm8 =	veq.f32 v31, v28;
	v16 =	vsel vm15, $0xE, v32  }
0x96: {  	vm9 =	veq.f32 v30, v28;
	vm12 =	veq.f32 v25, v28;
	v16 =	vsel vm8, $0xD, v16  }
0x97: {  	v19 =	vsel vm11, $0x7, v19;
	vm11 =	veq.f32 v29, v28;
	v34 =	vsel vm9, $0xC, v16  }
0x98: {  	vm14 =	veq.f32 v12, v35;
	vm7 =	veq.f32 v1, v28;
	v14 =	vsel vm11, $0xB, v34  }
0x99: {  	vm13 =	veq.f32 v21, v28;
	vm15 =	veq.f32 v17, v28;
	v14 =	vsel vm12, $0xA, v14  }
0x9a: {  	v19 =	vsel vm1, $0x6, v19;
	vm1 =	vmand vm3, vm14;
	v37 =	vsel vm13, $0x9, v14  }
0x9b: {  	vm8 =	veq.f32 v13, v28;
	vm14 =	veq.f32 v9, v35;
	v12 =	vsel vm15, $0x8, v37  }
0x9c: {  	v36 =	vsel vm5, $0x5, v19;
	vm9 =	veq.f32 v10, v28;
	v12 =	vsel vm8, $0x7, v12  }
0x9d: {  	v38 =	vsel vm0, $0x4, v36;
	vm11 =	veq.f32 v7, v28;
	v39 =	vsel vm9, $0x6, v12  }
0x9e: {  	vm12 =	veq.f32 v5, v28;
	v40 =	vsel vm1, $0x3, v38;
	v11 =	vsel vm11, $0x5, v39  }
0x9f: {  	vm1 =	vmand vm6, vm14;
	vm13 =	veq.f32 v4, v28;
	v11 =	vsel vm12, $0x4, v11  }
0xa0: {  	v44 =	vsel vm2, $0x2, v40;
	vm15 =	veq.f32 v3, v28;
	v41 =	vsel vm13, $0x3, v11  }
0xa1: {  	vm8 =	veq.f32 v8, v35;
	vm9 =	veq.f32 v2, v28;
	v9 =	vsel vm15, $0x2, v41  }
0xa2: {  	vm0 =	vmand vm10, vm8;
	v43 =	vsel vm7, $0x1, v9;
	v9 =	vsel vm1, $0x1, v44  }
0xa3: {  	v46 =	vmax.f32 v2, $-1.000000000e+00;
	v8 =	vsel vm9, $0x0, v43;
	v9 =	vsel vm0, $0x0, v9  }
0xa4: {  	vm0 =	vge.f32 v6, $6.999999880e-01;
	vm11 =	veq.s32 v8, $0x0;
	vm12 =	veq.s32 v8, $0x1  }
0xa5: {  	vm13 =	veq.s32 v8, $0x2;
	v11 =	vsel vm11, $0xBF800000, v46;
	v47 =	vsel vm12, $0xBF800000, v1  }
0xa6: {  	vm14 =	veq.s32 v8, $0x3;
	v48 =	vsel vm13, $0xBF800000, v3;
	v11 =	vmax.f32 v11, v47  }
0xa7: {  	vm15 =	veq.s32 v8, $0x4;
	v49 =	vsel vm14, $0xBF800000, v4;
	v11 =	vmax.f32 v11, v48  }
0xa8: {  	vm4 =	veq.s32 v8, $0x5;
	v50 =	vsel vm15, $0xBF800000, v5;
	v11 =	vmax.f32 v11, v49  }
0xa9: {  	vm5 =	veq.s32 v8, $0x6;
	v51 =	vsel vm4, $0xBF800000, v7;
	v11 =	vmax.f32 v11, v50  }
0xaa: {  	vm6 =	veq.s32 v8, $0x7;
	v52 =	vsel vm5, $0xBF800000, v10;
	v11 =	vmax.f32 v11, v51  }
0xab: {  	vm7 =	veq.s32 v8, $0x8;
	v53 =	vsel vm6, $0xBF800000, v13;
	v11 =	vmax.f32 v11, v52  }
0xac: {  	vm8 =	veq.s32 v8, $0x9;
	v54 =	vsel vm7, $0xBF800000, v17;
	v11 =	vmax.f32 v11, v53  }
0xad: {  	vm9 =	veq.s32 v8, $0xA;
	v55 =	vsel vm8, $0xBF800000, v21;
	v11 =	vmax.f32 v11, v54  }
0xae: {  	vm10 =	veq.s32 v8, $0xB;
	v56 =	vsel vm9, $0xBF800000, v25;
	v11 =	vmax.f32 v11, v55  }
0xaf: {  	v57 =	vsel vm10, $0xBF800000, v29;
	vm11 =	veq.s32 v8, $0xC;
	v11 =	vmax.f32 v11, v56  }
0xb0: {  	vm12 =	veq.s32 v8, $0xD;
	v58 =	vsel vm11, $0xBF800000, v30;
	v11 =	vmax.f32 v11, v57  }
0xb1: {  	vm13 =	veq.s32 v8, $0xE;
	v59 =	vsel vm12, $0xBF800000, v31;
	v11 =	vmax.f32 v11, v58  }
0xb2: {  	vm14 =	veq.s32 v8, $0xF;
	v60 =	vsel vm13, $0xBF800000, v33;
	v11 =	vmax.f32 v11, v59  }
0xb3: {  	vm8 =	vne.s32 v8, $0xF;
	v61 =	vsel vm14, $0xBF800000, v26;
	v11 =	vmax.f32 v11, v60  }
0xb4: {  	vm4 =	vne.s32 v8, $0xE;
	vm10 =	vne.s32 v8, $0xD;
	v11 =	vmax.f32 v11, v61  }
0xb5: {  	vm12 =	vne.s32 v8, $0xB;
	vm13 =	vne.s32 v8, $0xC;
	vm15 =	veq.f32 v26, v11  }
0xb6: {  	vm9 =	veq.f32 v33, v11;
	vm11 =	veq.f32 v31, v11;
	vm14 =	veq.f32 v30, v11  }
0xb7: {  	vm7 =	veq.f32 v4, v11;
	vm1 =	vmand vm8, vm15;
	vm3 =	vmand vm4, vm9  }
0xb8: {  	vm2 =	vmand vm10, vm11;
	vm15 =	veq.f32 v29, v11;
	vm8 =	vne.s32 v8, $0xA  }
0xb9: {  	vm9 =	veq.f32 v25, v11;
	vm10 =	vne.s32 v8, $0x8;
	vm11 =	vne.s32 v8, $0x9  }
0xba: {  	v62 =	vsel vm1, $0xF, v0;
	vm1 =	vmand vm12, vm15;
	vm12 =	veq.f32 v21, v11  }
0xbb: {  	vm15 =	veq.f32 v13, v11;
	v6 =	vsel vm3, $0xE, v62;
	vm3 =	vmand vm13, vm14  }
0xbc: {  	vm13 =	veq.f32 v17, v11;
	vm14 =	vne.s32 v8, $0x7;
	v6 =	vsel vm2, $0xD, v6  }
0xbd: {  	vm2 =	vmand vm8, vm9;
	vm8 =	vne.s32 v8, $0x5;
	vm9 =	vne.s32 v8, $0x6  }
0xbe: {  	v6 =	vsel vm3, $0xC, v6;
	vm3 =	vmand vm10, vm13;
	vm10 =	veq.f32 v10, v11  }
0xbf: {  	vm13 =	veq.f32 v5, v11;
	v6 =	vsel vm1, $0xB, v6;
	vm1 =	vmand vm11, vm12  }
0xc0: {  	vm11 =	veq.f32 v7, v11;
	vm12 =	vne.s32 v8, $0x4;
	v6 =	vsel vm2, $0xA, v6  }
0xc1: {  	vm2 =	vmand vm14, vm15;
	vm14 =	vne.s32 v8, $0x2;
	v6 =	vsel vm1, $0x9, v6  }
0xc2: {  	vm15 =	vne.s32 v8, $0x3;
	vm1 =	vmand vm8, vm11;
	v6 =	vsel vm3, $0x8, v6  }
0xc3: {  	vm8 =	veq.f32 v3, v11;
	vm3 =	vmand vm9, vm10;
	v6 =	vsel vm2, $0x7, v6  }
0xc4: {  	vm9 =	vne.s32 v8, $0x1;
	vm10 =	veq.f32 v1, v11;
	v63 =	vsel vm3, $0x6, v6  }
0xc5: {  	vm2 =	vmand vm12, vm13;
	vm11 =	vmand vm9, vm10;
	v5 =	vsel vm1, $0x5, v63  }
0xc6: {  	vm13 =	veq.f32 v2, v11;
	vm1 =	vmand vm15, vm7;
	v3 =	vsel vm2, $0x4, v5  }
0xc7: {  	[tilespmem:s18+$0x800] =	vst v28;
	v2 =	vnsel vm0, $0xFFFFFFFF, v15;
	vm3 =	vmand vm14, vm8;
	v1 =	vsel vm1, $0x3, v3  }
0xc8: {  	vm12 =	vne.s32 v8, $0x0;
	[tilespmem:s17+$0x900] =	vst v2;
	v3 =	vnsel vm0, $0xFFFFFFFF, v9;
	v1 =	vsel vm3, $0x2, v1  }
0xc9: {  	vm14 =	vmand vm12, vm13;
	vm15 =	vge.f32 v28, $6.999999880e-01;
	[tilespmem:s17+$0x980] =	vst v3;
	v1 =	vsel vm11, $0x1, v1  }
0xca: {  	v2 =	vnsel vm15, $0xFFFFFFFF, v8;
	[tilespmem:s18+$0x880] =	vst v11;
	v1 =	vsel vm14, $0x0, v1  }
0xcb: {  	[tilespmem:s18+$0x900] =	vst v2;
	v1 =	vnsel vm15, $0xFFFFFFFF, v1  }
0xcc: {  	[tilespmem:s18+$0x980] =	vst v1  }
0xcd: {  	[hbm4b:s4+s2] =	stream.linear.scatter [tilespmem:s12], [sflag:$0x1], $0x80, $0x38;
	[tilespmem:$0xA00] =	vst v63  }
0xce: {  	_ =	swait.ge [sflag:s11], $0x80  }
0xcf: {  	[sflag:s11] =	ssyncset.done $0x0  }
0xd0: {  	[sflag:s11] =	ssyncadd.s32 $0xFFFFFF80  }
0xd1: {  	[hbm4b:s5+s2] =	stream.linear.scatter [tilespmem:s13], [sflag:$0x1], $0x80, $0x38;
	[tilespmem:$0xA00] =	vst v63  }
0xd2: {  	_ =	swait.ge [sflag:s11], $0x80  }
0xd3: {  	[sflag:s11] =	ssyncset.done $0x0  }
0xd4: {  	[sflag:s11] =	ssyncadd.s32 $0xFFFFFF80  }
0xd5: {  	[hbm4b:s6+s2] =	stream.linear.scatter [tilespmem:s14], [sflag:$0x1], $0x80, $0x38;
	[tilespmem:$0xA00] =	vst v63  }
0xd6: {  	s16 =	sadd.s32 $0x1, s16;
	_ =	swait.ge [sflag:s11], $0x80  }
0xd7: {  	p0 =	sne.s32 s16, s8;
	[sflag:s11] =	ssyncset.done $0x0  }
.Ltmp1:
0xd8: {  	[sflag:s11] =	ssyncadd.s32 $0xFFFFFF80;
	(pc) =	sbr.rel @p0 .LBB2_1-.Ltmp1, $4  }
0xd9: {  	[hbm4b:s7+s2] =	stream.linear.scatter [tilespmem:s15], [sflag:$0x1], $0x80, $0x38;
	[tilespmem:$0xA00] =	vst v63  }
0xda: {  	_ =	swait.ge [sflag:s11], $0x80  }
0xdb: {  	[sflag:s11] =	ssyncset.done $0x0  }
0xdc: {  	[sflag:s11] =	ssyncadd.s32 $0xFFFFFF80  }
0xdd: {  	_ =	sfence.sel $0x180000  }
0xde: {  	[bflag:$0x0] =	sbarrier.arrive $0xFFFF  }
0xdf: {  	p0 =	sne.s32 s1, $0x0;
	_ =	strace $0x9000004A  }
0xe0: {  	s0 =	sadd.s32 @!p0 $0x100000, s0;
	[bflag:$0x2] =	sbarrier.arrive $0xFFFF  }
0xe1: {  	[sflag:s0] =	ssyncadd.tile.s32 @!p0 $0x1;
	_ =	shalt  }
.Lfunc_end2:
_tile_overlayer_lowered:
.L_overlay_start_2:
0xe2: {  	(tag) =	ssettag $0x2  }
0xe3: {  	s0 =	rddreg [dreg:$0x0];
	s2 =	stileid.u32  }
0xe4: {  	s1 =	rddreg [dreg:$0x1];
	p0 =	sne.s32 s2, $0x0  }
0xe5: {  	s3 =	rddreg [dreg:$0x2];
	[bflag:$0x3] =	sbarrier.arrive $0xFFFF;
	s2 =	simm.s32 @!p0 $0x1C01  }
0xe6: {  	[timem:s3], [sflag:s2] =	dma.local @!p0 [hbm:s0], s1  }
0xe7: {  	s0 =	simm.s32 @!p0 $0x1  }
0xe8: {  	_ =	swait.ge @!p0 [sflag:s0], s1  }
0xe9: {  	s1 =	ssub.s32 @!p0 $0x0, s1;
	[sflag:s0] =	ssyncset.done @!p0 $0x0  }
0xea: {  	[sflag:s0] =	ssyncadd.s32 @!p0 s1  }
0xeb: {  	[bflag:$0x3] =	sbarrier.arrive $0xFFFF  }
0xec: {  	_ =	shalt  }

// kernel: kernel.9.cloned.1.call-start
scs
__scs_entry_jumppad:
0x0: {  	(pc) =	sbr.rel $0x88, $3  }
0x1: {  	(tag) =	ssettag $0x0;
	lr =	simm.s32 $0x1  }
0x2: {  	[smem:$0x3F9F] =	sst lr;
	_ =	strace $0xD0000000  }
0x3: {  	_ = 	snop  }
0x4: {  	_ = 	snop  }
0x5: {  	_ = 	snop  }
0x6: {  	_ = 	snop  }
0x7: {  	_ = 	snop  }
__scs_overlays_trampoline_lowered:
0x8: {  	[smem:$0x3FAE] =	sst s0  }
0x9: {  	[smem:$0x3FAF] =	sst s1  }
0xa: {  	[smem:$0x3FB0] =	sst s2  }
0xb: {  	[smem:$0x3FB1] =	sst s3  }
0xc: {  	[smem:$0x3FB2] =	sst s4  }
0xd: {  	[smem:$0x3FB3] =	sst s5  }
0xe: {  	[smem:$0x3FB4] =	sst s6  }
0xf: {  	[smem:$0x3FB5] =	sst s7  }
0x10: {  	[smem:$0x3FB6] =	sst s8  }
0x11: {  	[smem:$0x3FB7] =	sst s9;
	s0 =	simm.s32 @!p0 $0x0  }
0x12: {  	s1 =	sld [smem:$0x3F9D];
	s0 =	simm.s32 @p0 $0x1  }
0x13: {  	[smem:$0x3FB8] =	sst s0;
	s0 =	simm.s32 @!p1 $0x0  }
0x14: {  	s2 =	sld [smem:$0x3F9C];
	s0 =	simm.s32 @p1 $0x1  }
0x15: {  	[smem:$0x3FB9] =	sst s0;
	s0 =	simm.s32 @!p2 $0x0  }
0x16: {  	s3 =	sld [smem:$0x3FDB];
	s0 =	simm.s32 @p2 $0x1  }
0x17: {  	s4 =	simm.s32 $0x1BF5;
	[smem:$0x3FBB] =	sst s0  }
0x18: {  	s0 =	sld [smem:$0x3F9E];
	_ =	swait.ge [sflag:s4], $0x0  }
0x19: {  	s7 =	sld [smem:$0x3F9F]  }
0x1a: {  	s8 =	sadd.s32 $0xFFFFE003, lr  }
0x1b: {  	s9 =	sadd.s32 $0xFFFFFEF7, lr;
	s5 =	simm.s32 $0xFFFFFFFF;
	p2 =	slt.u32 s8, $0xFFFFF086  }
0x1c: {  	p1 =	slt.u32 s9, $0xF7A;
	s5 =	simm.s32 @!p2 $0x0  }
0x1d: {  	s5 =	simm.s32 @p1 $0x1;
	p0 =	seq.s32 s7, s2  }
0x1e: {  	s7 =	smul.u32 @!p0 $0xF7A, s2;
	p2 =	seq.s32 @!p0 s5, $0x0  }
0x1f: {  	s9 =	smul.u32 $0xF7A, s1;
	s8 =	simm.s32 @!p0 $0x1BF5;
	p2 =	por !p2, p0  }
0x20: {  	[sflag:s8] =	ssyncset.s32 @!p0 $0xFFFFF086;
	s6 =	sadd.s32 @!p0 s3, s7;
	s7 =	simm.s32 @!p0 $0x108  }
0x21: {  	s3 =	sadd.s32 s3, s9;
	s6 =	sadd.s32 @!p0 $0x88, s6;
	s7 =	simm.s32 @p2 $0x1082  }
0x22: {  	[simem:s7], [sflag:s8] =	dma.local @!p0 [hbm:s6], $0xF7A  }
0x23: {  	s9 =	sor.u32 $0xD0000000, s2;
	s6 =	simm.s32 $0x108;
	_ =	swait.ge @!p0 [sflag:s8], $0x0  }
0x24: {  	s3 =	sadd.s32 $0x88, s3;
	s6 =	simm.s32 @!p1 $0x1082;
	[sflag:s4] =	ssyncset.s32 $0xFFFFF086  }
0x25: {  	[simem:s6], [sflag:s4] =	dma.local [hbm:s3], $0xF7A  }
0x26: {  	[smem:$0x3F9F] =	sst s1;
	(tag) =	ssettag s2;
	_ =	strace s9  }
0x27: {  	s1 =	sld [smem:$0x3FAF]  }
0x28: {  	s2 =	sld [smem:$0x3FB0]  }
0x29: {  	s4 =	sld [smem:$0x3FB2]  }
0x2a: {  	p0 =	seq.s32 s5, $0x0;
	s5 =	sld [smem:$0x3FB3]  }
0x2b: {  	s6 =	sld [smem:$0x3FB4]  }
0x2c: {  	s7 =	sld [smem:$0x3FB5]  }
0x2d: {  	s3 =	simm.s32 $0x108;
	s8 =	sld [smem:$0x3FB6]  }
0x2e: {  	s3 =	simm.s32 @!p0 $0x1082;
	s9 =	sld [smem:$0x3FB7]  }
0x2f: {  	lr =	sadd.s32 s0, s3;
	s0 =	sld [smem:$0x3FAE]  }
0x30: {  	s3 =	sld [smem:$0x3FB1]  }
0x31: {  	[smem:$0x3FBA] =	sst s10  }
0x32: {  	s10 =	sld [smem:$0x3FB8];
	_ =	sdelay $0x3  }
0x33: {  	p0 =	seq.s32 s10, $0x1;
	s10 =	sld [smem:$0x3FBA];
	_ =	sdelay $0x3  }
0x34: {  	[smem:$0x3FBA] =	sst s10  }
0x35: {  	s10 =	sld [smem:$0x3FB9];
	_ =	sdelay $0x3  }
0x36: {  	p1 =	seq.s32 s10, $0x1;
	s10 =	sld [smem:$0x3FBA];
	_ =	sdelay $0x3  }
0x37: {  	[smem:$0x3FBA] =	sst s10  }
0x38: {  	s10 =	sld [smem:$0x3FBB]  }
0x39: {  	_ = 	snop;
	(pc) =	sbr.ind lr, $3  }
0x3a: {  	_ = 	snop  }
0x3b: {  	_ = 	snop  }
0x3c: {  	p2 =	seq.s32 s10, $0x1;
	s10 =	sld [smem:$0x3FBA]  }
0x3d: {  	_ =	shalt  }
0x3e: {  	_ =	shalt  }
0x3f: {  	_ =	shalt  }
0x40: {  	_ =	shalt  }
0x41: {  	_ =	shalt  }
0x42: {  	_ =	shalt  }
0x43: {  	_ =	shalt  }
0x44: {  	_ =	shalt  }
0x45: {  	_ =	shalt  }
0x46: {  	_ =	shalt  }
0x47: {  	_ =	shalt  }
0x48: {  	_ =	shalt  }
0x49: {  	_ =	shalt  }
0x4a: {  	_ =	shalt  }
0x4b: {  	_ =	shalt  }
0x4c: {  	_ =	shalt  }
0x4d: {  	_ =	shalt  }
0x4e: {  	_ =	shalt  }
0x4f: {  	_ =	shalt  }
0x50: {  	_ =	shalt  }
0x51: {  	_ =	shalt  }
0x52: {  	_ =	shalt  }
0x53: {  	_ =	shalt  }
0x54: {  	_ =	shalt  }
0x55: {  	_ =	shalt  }
0x56: {  	_ =	shalt  }
0x57: {  	_ =	shalt  }
0x58: {  	_ =	shalt  }
0x59: {  	_ =	shalt  }
0x5a: {  	_ =	shalt  }
0x5b: {  	_ =	shalt  }
0x5c: {  	_ =	shalt  }
0x5d: {  	_ =	shalt  }
0x5e: {  	_ =	shalt  }
0x5f: {  	_ =	shalt  }
0x60: {  	_ =	shalt  }
0x61: {  	_ =	shalt  }
0x62: {  	_ =	shalt  }
0x63: {  	_ =	shalt  }
0x64: {  	_ =	shalt  }
0x65: {  	_ =	shalt  }
0x66: {  	_ =	shalt  }
0x67: {  	_ =	shalt  }
0x68: {  	_ =	shalt  }
0x69: {  	_ =	shalt  }
0x6a: {  	_ =	shalt  }
0x6b: {  	_ =	shalt  }
0x6c: {  	_ =	shalt  }
0x6d: {  	_ =	shalt  }
0x6e: {  	_ =	shalt  }
0x6f: {  	_ =	shalt  }
0x70: {  	_ =	shalt  }
0x71: {  	_ =	shalt  }
0x72: {  	_ =	shalt  }
0x73: {  	_ =	shalt  }
0x74: {  	_ =	shalt  }
0x75: {  	_ =	shalt  }
0x76: {  	_ =	shalt  }
0x77: {  	_ =	shalt  }
0x78: {  	_ =	shalt  }
0x79: {  	_ =	shalt  }
0x7a: {  	_ =	shalt  }
0x7b: {  	_ =	shalt  }
0x7c: {  	_ =	shalt  }
0x7d: {  	_ =	shalt  }
0x7e: {  	_ =	shalt  }
0x7f: {  	_ =	shalt  }
0x80: {  	_ =	shalt  }
0x81: {  	_ =	shalt  }
0x82: {  	_ =	shalt  }
0x83: {  	_ =	shalt  }
0x84: {  	_ =	shalt  }
0x85: {  	_ =	shalt  }
0x86: {  	_ =	shalt  }
0x87: {  	_ =	shalt  }
.Lfunc_end0:
.L_simem_size_0:
called_computation.1_lowered:
.L_overlay_start_0:
0x88: {  	s2 =	sld [smem:$0x3FD9]  }
0x89: {  	s3 =	sld [smem:$0x3FFE];
	_ =	sdelay $0x1  }
0x8a: {  	s1 =	srdreg.scid  }
0x8b: {  	s0 =	sand.u32 $0x1, s1  }
0x8c: {  	s16 =	sshll.u32 s0, $0xA;
	s2 =	sadd.s32 s3, s2  }
0x8d: {  	s2 =	sadd.s32 s2, s16  }
0x8e: {  	[smem:$0x3FC6] =	sst s2  }
0x8f: {  	_ = 	snop  }
0x90: {  	(tm) =	ssettm $0x1  }
0x91: {  	s17 =	sld [smem:$0x3FFB];
	_ =	sdelay $0x3  }
0x92: {  	_ =	strace s17  }
0x93: {  	s2 =	sld [smem:$0x3FFC];
	_ =	sdelay $0x3  }
0x94: {  	_ =	strace s2  }
0x95: {  	s2 =	sld [smem:$0x3FFD];
	_ =	sdelay $0x3  }
0x96: {  	_ =	strace s2  }
0x97: {  	_ =	strace $0x8FFFFFFF  }
0x98: {  	s18 =	sld [smem:$0x3FDB];
	_ =	sdelay $0x1  }
0x99: {  	s19 =	simm.s32 $_scs_section_size  }
0x9a: {  	s4 =	simm.s32 $_size__tile_overlayer_lowered;
	s5 =	simm.s32 $_tile_overlayer_lowered  }
0x9b: {  	s22 =	simm.s32 $0x1BFF;
	s21 =	sshll.u32 s5, $0x1;
	s2 =	sadd.s32 s19, s18  }
0x9c: {  	s6 =	simm.s32 $0x0;
	s20 =	sshll.u32 s4, $0x1;
	s4 =	sadd.s32 s21, s2  }
0x9d: {  	[timem:s6], [sflag:s22] =	dma.local [hbm:s4], s20  }
0x9e: {  	_ =	swait.ge [sflag:s22], s20  }
0x9f: {  	s3 =	ssub.s32 $0x0, s20;
	[sflag:s22] =	ssyncset.done $0x0  }
0xa0: {  	[sflag:s22] =	ssyncadd.s32 s3;
	_ =	sdelay $0x1  }
0xa1: {  	s23 =	simm.s32 $0x1B8B  }
0xa2: {  	_ =	swait.ge [sflag:s23], $0x1  }
0xa3: {  	[sflag:s23] =	ssyncset.done $0x0  }
0xa4: {  	s25 =	simm.s32 $0x1B8E;
	s24 =	sld [smem:$0x3FFE];
	[sflag:s23] =	ssyncadd.s32 $0xFFFFFFFF  }
0xa5: {  	s26 =	simm.s32 $execute0_lowered;
	[smem:$0x3FD2] =	sst s25  }
0xa6: {  	s4 =	sshll.u32 s26, $0x1;
	_ =	strace $0x80000046;
	[dreg:$0x1] =	wrdreg $0xFFFFFFFF  }
0xa7: {  	s28 =	simm.s32 $_size_execute0_lowered;
	s2 =	sadd.s32 s2, s4;
	[dreg:$0x0] =	wrdreg $0x0  }
0xa8: {  	s4 =	sshll.u32 s28, $0x1;
	[dreg:$0x2] =	wrdreg s2  }
0xa9: {  	[dreg:$0x3] =	wrdreg s4  }
0xaa: {  	[dreg:$0x4] =	wrdreg $0xC0  }
0xab: {  	_ =	task [dreg:s6], $0x5FFFF  }
0xac: {  	[dreg:$0x1] =	wrdreg $0xFFFFFFFF  }
0xad: {  	[dreg:$0x0] =	wrdreg $0x60  }
0xae: {  	[dreg:$0x2] =	wrdreg s24  }
0xaf: {  	[dreg:$0x3] =	wrdreg $0xA  }
0xb0: {  	_ =	task.clear_ibuf [dreg:s6], $0x4FFFF;
	_ =	strace $0x90000046  }
0xb1: {  	s29 =	simm.s32 $0xA;
	_ =	strace $0x80000048  }
0xb2: {  	_ =	swait.ge [sflag:s29], $0x1  }
0xb3: {  	[sflag:s29] =	ssyncadd.s32 $0xFFFFFFFF  }
0xb4: {  	_ =	strace $0x90000048  }
0xb5: {  	_ =	sfence  }
0xb6: {  	s30 =	sld [smem:$0x0];
	_ =	sdelay $0x2  }
0xb7: {  	s31 =	sshll.u32 s1, $0xD;
	s1 =	sshrl.u32 s1, $0x2  }
0xb8: {  	s3 =	sand.u32 $0x4000, s31;
	s1 =	sadd.s32 s1, s30  }
0xb9: {  	s0 =	sor.u32 s3, s0;
	s1 =	sshll.u32 s1, $0x11  }
0xba: {  	s0 =	sor.u32 s1, s0  }
0xbb: {  	s0 =	sadd.s32 $0x8F2B, s0  }
0xbc: {  	[sflag:s0] =	ssyncadd.remote.s32 $0x1  }
0xbd: {  	_ =	sfence.sel $0xFFFF  }
0xbe: {  	[dreg:$0x0] =	wrdreg $0xFFFFFFFF;
	(pc) =	sbr.abs _section_cstart, $3  }
0xbf: {  	[dreg:$0x1] =	wrdreg $0xFFFFFFFF  }
0xc0: {  	_ =	task.clear_ibuf [dreg:s6], $0x2FFFF;
	_ =	strace $0x9FFFFFFF  }
0xc1: {  	(tm) =	ssettm $0x7FFFFFFF  }
tec
execute0_lowered:
.L_overlay_start_1:
0x0: {  	(tag) =	ssettag $0x1  }
0x1: {  	s3 =	rddreg [dreg:$0x0]  }
0x2: {  	s0 =	rddreg [dreg:$0x1];
	s2 =	simm.s32 $0x0;
	s4 =	srdreg.scid  }
0x3: {  	s1 =	stileid.u32;
	s9 =	simm.s32 $0x400;
	s10 =	simm.s32 $0x8000  }
0x4: {  	s11 =	simm.s32 $0x1;
	s12 =	simm.s32 $0x800;
	s13 =	simm.s32 $0x880  }
0x5: {  	s14 =	simm.s32 $0x900;
	s15 =	simm.s32 $0x980;
	s16 =	simm.s32 $0x0  }
0x6: {  	[smem:$0x7FF] =	sst s2;
	s4 =	sand.u32 $0x1, s4;
	s5 =	sshll.u32 s1, $0x1  }
0x7: {  	_ =	strace $0x80000047;
	s5 =	sor.u32 s4, s5;
	s4 =	ssub.s32 $0x2, s4  }
0x8: {  	s6 =	sshll.u32 s5, $0x7;
	s5 =	sshll.u32 s5, $0x4;
	s31 =	sshrl.u32 s4, $0x1  }
0x9: {  	s6 =	sadd.s32 s6, s3;
	s7 =	sadd.s32 s5, s3;
	s8 =	ssub.s32 s4, s31  }
0xa: {  	s3 =	sadd.s32 $0x1400, s6;
	s4 =	sadd.s32 $0x3400, s7;
	s5 =	sadd.s32 $0x3600, s7  }
0xb: {  	v0 =	vimm.s32 $0x10;
	s6 =	sadd.s32 $0x3800, s7;
	s7 =	sadd.s32 $0x3A00, s7;
	s8 =	smax.u32 s8, $0x1  }
.LBB2_1:
0xc: {  	[tilespmem:s2], [sflag:$0x1] =	stream.strided.gather [hbm4b:s3+s9], $0x800, s10, s9, $0x38;
	[tilespmem:$0xA00] =	vst v63  }
0xd: {  	_ =	swait.ge [sflag:s11], $0x800  }
0xe: {  	[sflag:s11] =	ssyncset.done $0x0  }
0xf: {  	s17 =	simm.s32 $0x0;
	[sflag:s11] =	ssyncadd.s32 $0xFFFFF800  }
0x10: {  	v8 =	vld [tilespmem:s17+$0x0]  }
0x11: {  	v9 =	vld [tilespmem:s17+$0x80]  }
0x12: {  	v11 =	vld [tilespmem:s17+$0x100]  }
0x13: {  	v12 =	vld [tilespmem:s17+$0x180]  }
0x14: {  	v14 =	vld [tilespmem:s17+$0x200]  }
0x15: {  	v16 =	vld [tilespmem:s17+$0x280]  }
0x16: {  	v18 =	vld [tilespmem:s17+$0x300];
	v1 =	vmax.f32 v8, v9  }
0x17: {  	v19 =	vld [tilespmem:s17+$0x380];
	v1 =	vmax.f32 v1, v11  }
0x18: {  	v20 =	vld [tilespmem:s17+$0x400];
	v1 =	vmax.f32 v1, v12  }
0x19: {  	v22 =	vld [tilespmem:s17+$0x480];
	v1 =	vmax.f32 v1, v14  }
0x1a: {  	v23 =	vld [tilespmem:s17+$0x500];
	v1 =	vmax.f32 v1, v16  }
0x1b: {  	v24 =	vld [tilespmem:s17+$0x580];
	v1 =	vmax.f32 v1, v18  }
0x1c: {  	v26 =	vld [tilespmem:s17+$0x600];
	v1 =	vmax.f32 v1, v19  }
0x1d: {  	v27 =	vld [tilespmem:s17+$0x680];
	v1 =	vmax.f32 v1, v20  }
0x1e: {  	v28 =	vld [tilespmem:s17+$0x700];
	v1 =	vmax.f32 v1, v22  }
0x1f: {  	v32 =	vld [tilespmem:s17+$0x780];
	v1 =	vmax.f32 v1, v23  }
0x20: {  	v1 =	vmax.f32 v1, v24  }
0x21: {  	s18 =	simm.s32 $0x10;
	v1 =	vmax.f32 v1, v26  }
0x22: {  	v2 =	vld [tilespmem:s18+$0x0];
	v3 =	vmax.f32 v1, v27  }
0x23: {  	v1 =	vld [tilespmem:s18+$0x80];
	v4 =	vmax.f32 v3, v28  }
0x24: {  	v3 =	vld [tilespmem:s18+$0x100];
	v6 =	vmax.f32 v4, v32  }
0x25: {  	v4 =	vld [tilespmem:s18+$0x180];
	vm0 =	veq.f32 v32, v6;
	[tilespmem:s17+$0x800] =	vst v6  }
0x26: {  	vm1 =	veq.f32 v28, v6;
	v5 =	vld [tilespmem:s18+$0x200];
	v10 =	vsel vm0, $0xF, v0  }
0x27: {  	v36 =	vimm.s32 $0x0;
	v7 =	vld [tilespmem:s18+$0x280];
	vm0 =	veq.f32 v27, v6;
	v13 =	vsel vm1, $0xE, v10  }
0x28: {  	v10 =	vld [tilespmem:s18+$0x300];
	v15 =	vmax.f32 v2, v1;
	vm1 =	veq.f32 v26, v6;
	v17 =	vsel vm0, $0xD, v13  }
0x29: {  	v13 =	vld [tilespmem:s18+$0x380];
	v15 =	vmax.f32 v15, v3;
	vm0 =	veq.f32 v24, v6;
	v21 =	vsel vm1, $0xC, v17  }
0x2a: {  	v17 =	vld [tilespmem:s18+$0x400];
	v15 =	vmax.f32 v15, v4;
	vm1 =	veq.f32 v23, v6;
	v25 =	vsel vm0, $0xB, v21  }
0x2b: {  	v21 =	vld [tilespmem:s18+$0x480];
	vm0 =	veq.f32 v22, v6;
	v15 =	vmax.f32 v15, v5;
	v29 =	vsel vm1, $0xA, v25  }
0x2c: {  	v25 =	vld [tilespmem:s18+$0x500];
	vm1 =	veq.f32 v20, v6;
	v15 =	vmax.f32 v15, v7;
	v30 =	vsel vm0, $0x9, v29  }
0x2d: {  	v29 =	vld [tilespmem:s18+$0x580];
	vm0 =	veq.f32 v19, v6;
	v15 =	vmax.f32 v15, v10;
	v31 =	vsel vm1, $0x8, v30  }
0x2e: {  	v30 =	vld [tilespmem:s18+$0x600];
	vm1 =	veq.f32 v18, v6;
	v15 =	vmax.f32 v15, v13;
	v33 =	vsel vm0, $0x7, v31  }
0x2f: {  	v31 =	vld [tilespmem:s18+$0x680];
	vm0 =	veq.f32 v16, v6;
	v15 =	vmax.f32 v15, v17;
	v34 =	vsel vm1, $0x6, v33  }
0x30: {  	v33 =	vld [tilespmem:s18+$0x700];
	vm1 =	veq.f32 v14, v6;
	v15 =	vmax.f32 v15, v21;
	v34 =	vsel vm0, $0x5, v34  }
0x31: {  	vm0 =	veq.f32 v12, v6;
	v15 =	vmax.f32 v15, v25;
	v34 =	vsel vm1, $0x4, v34  }
0x32: {  	vm1 =	veq.f32 v11, v6;
	v15 =	vmax.f32 v15, v29;
	v34 =	vsel vm0, $0x3, v34  }
0x33: {  	vm0 =	veq.f32 v9, v6;
	v15 =	vmax.f32 v15, v30;
	v34 =	vsel vm1, $0x2, v34  }
0x34: {  	vm1 =	veq.f32 v8, v6;
	v15 =	vmax.f32 v15, v31;
	v35 =	vsel vm0, $0x1, v34  }
0x35: {  	v48 =	vimm.s32 $0x0;
	v34 =	vmax.f32 v15, v33;
	v15 =	vsel vm1, $0x0, v35  }
0x36: {  	v47 =	vmax.f32 v8, $-1.000000000e+00;
	vm0 =	vne.s32 v15, $0x0;
	vm2 =	vne.s32 v15, $0x2  }
0x37: {  	vm3 =	vne.s32 v15, $0x3;
	vm4 =	vne.s32 v15, $0x4;
	vm5 =	vne.s32 v15, $0x5  }
0x38: {  	vm6 =	vne.s32 v15, $0x6;
	vm7 =	vne.s32 v15, $0x7;
	vm8 =	vne.s32 v15, $0x8  }
0x39: {  	vm10 =	veq.s32 v15, $0x0;
	vm11 =	veq.s32 v15, $0x1;
	vm9 =	vne.s32 v15, $0x9  }
0x3a: {  	vm12 =	vne.s32 v15, $0xC;
	v36 =	vsel vm0, $0xFFFFFFFF, v36;
	vm0 =	vne.s32 v15, $0x1  }
0x3b: {  	v35 =	vsel vm10, $0xBF800000, v47;
	v49 =	vsel vm11, $0xBF800000, v9;
	vm10 =	veq.s32 v15, $0x2  }
0x3c: {  	v35 =	vmax.f32 v35, v49;
	v50 =	vsel vm10, $0xBF800000, v11;
	vm10 =	veq.s32 v15, $0x3  }
0x3d: {  	v35 =	vmax.f32 v35, v50;
	v51 =	vsel vm10, $0xBF800000, v12;
	vm10 =	veq.s32 v15, $0x4  }
0x3e: {  	v35 =	vmax.f32 v35, v51;
	v52 =	vsel vm10, $0xBF800000, v14;
	vm10 =	veq.s32 v15, $0x5  }
0x3f: {  	v35 =	vmax.f32 v35, v52;
	v53 =	vsel vm10, $0xBF800000, v16;
	vm10 =	veq.s32 v15, $0x6  }
0x40: {  	v35 =	vmax.f32 v35, v53;
	v54 =	vsel vm10, $0xBF800000, v18;
	vm10 =	veq.s32 v15, $0x7  }
0x41: {  	v35 =	vmax.f32 v35, v54;
	v55 =	vsel vm10, $0xBF800000, v19;
	vm10 =	veq.s32 v15, $0x8  }
0x42: {  	v35 =	vmax.f32 v35, v55;
	v56 =	vsel vm10, $0xBF800000, v20;
	vm10 =	veq.s32 v15, $0x9  }
0x43: {  	v35 =	vmax.f32 v35, v56;
	v57 =	vsel vm10, $0xBF800000, v22;
	vm10 =	veq.s32 v15, $0xA  }
0x44: {  	v35 =	vmax.f32 v35, v57;
	v58 =	vsel vm10, $0xBF800000, v23;
	vm10 =	veq.s32 v15, $0xB  }
0x45: {  	v35 =	vmax.f32 v35, v58;
	v59 =	vsel vm10, $0xBF800000, v24;
	vm10 =	veq.s32 v15, $0xC  }
0x46: {  	v35 =	vmax.f32 v35, v59;
	v60 =	vsel vm10, $0xBF800000, v26;
	vm10 =	veq.s32 v15, $0xD  }
0x47: {  	v35 =	vmax.f32 v35, v60;
	v61 =	vsel vm10, $0xBF800000, v27;
	vm10 =	veq.s32 v15, $0xE  }
0x48: {  	v35 =	vmax.f32 v35, v61;
	v62 =	vsel vm10, $0xBF800000, v28;
	vm10 =	veq.s32 v15, $0xF  }
0x49: {  	[tilespmem:$0x1FFE0] =	vst v36;
	v36 =	vsel vm0, $0xFFFFFFFF, v48;
	v35 =	vmax.f32 v35, v62;
	v63 =	vsel vm10, $0xBF800000, v32  }
0x4a: {  	s19 =	simm.s32 $0x80;
	vm11 =	vne.s32 v15, $0xB;
	[tilespmem:$0x1FFF0] =	vst v36;
	vm10 =	vne.s32 v15, $0xA;
	v35 =	vmax.f32 v35, v63  }
.LBB2_2:
0x4b: {  	vm13 =	vne.s32 v15, $0xD;
	vm14 =	veq.f32 v32, v35;
	vm15 =	vne.s32 v15, $0xF  }
0x4c: {  	vm0 =	veq.f32 v28, v35;
	vm1 =	vne.s32 v15, $0xE;
	vm14 =	vmand vm15, vm14  }
0x4d: {  	vm15 =	veq.f32 v27, v35;
	vm0 =	vmand vm1, vm0;
	v43 =	vsel vm14, $0xF, v0  }
0x4e: {  	v27 =	vmovc v31;
	vm1 =	veq.f32 v26, v35;
	vm13 =	vmand vm13, vm15;
	v31 =	vsel vm0, $0xE, v43  }
0x4f: {  	v26 =	vmovc v30;
	vm1 =	vmand vm12, vm1;
	vm0 =	veq.f32 v24, v35;
	v30 =	vsel vm13, $0xD, v31  }
0x50: {  	vm12 =	veq.f32 v23, v35;
	v24 =	vmovc v29;
	vm0 =	vmand vm11, vm0;
	v29 =	vsel vm1, $0xC, v30  }
0x51: {  	v23 =	vmovc v25;
	vm10 =	vmand vm10, vm12;
	vm1 =	veq.f32 v22, v35;
	v25 =	vsel vm0, $0xB, v29  }
0x52: {  	v22 =	vmovc v21;
	vm0 =	veq.f32 v20, v35;
	vm1 =	vmand vm9, vm1;
	v21 =	vsel vm10, $0xA, v25  }
0x53: {  	v20 =	vmovc v17;
	vm9 =	veq.f32 v19, v35;
	vm0 =	vmand vm8, vm0;
	v17 =	vsel vm1, $0x9, v21  }
0x54: {  	v19 =	vmovc v13;
	vm7 =	vmand vm7, vm9;
	vm1 =	veq.f32 v18, v35;
	v13 =	vsel vm0, $0x8, v17  }
0x55: {  	v18 =	vmovc v10;
	vm0 =	veq.f32 v16, v35;
	vm1 =	vmand vm6, vm1;
	v10 =	vsel vm7, $0x7, v13  }
0x56: {  	v16 =	vmovc v7;
	vm6 =	veq.f32 v14, v35;
	vm0 =	vmand vm5, vm0;
	v7 =	vsel vm1, $0x6, v10  }
0x57: {  	v14 =	vmovc v5;
	vm4 =	vmand vm4, vm6;
	vm1 =	veq.f32 v12, v35;
	v5 =	vsel vm0, $0x5, v7  }
0x58: {  	v12 =	vmov v4;
	vm1 =	vmand vm3, vm1;
	v4 =	vsel vm4, $0x4, v5  }
0x59: {  	vm0 =	veq.f32 v11, v35;
	v11 =	vmov v3;
	v3 =	vsel vm1, $0x3, v4;
	v4 =	vld [tilespmem:$0x1FFF0]  }
0x5a: {  	[tilespmem:s17+$0x880] =	vst v35;
	v5 =	vld [tilespmem:$0x1FFE0]  }
0x5b: {  	v32 =	vld [tilespmem:s18+$0x780];
	_ =	sdelay $0x1  }
0x5c: {  	s20 =	sshra.s32 s19, $0x2;
	v36 =	vimm.s32 $0x0;
	vm3 =	veq.f32 v9, v35  }
0x5d: {  	v10 =	vld [tilespmem:s20+$0x0];
	vm0 =	vmand vm2, vm0;
	vm1 =	veq.f32 v8, v35;
	vm2 =	vnez.u8 v4  }
0x5e: {  	v9 =	vmovc v1;
	v1 =	vld [tilespmem:s20+$0x80];
	v4 =	vsel vm0, $0x2, v3;
	vm0 =	vnez.u8 v5;
	vm2 =	vmand vm2, vm3  }
0x5f: {  	v8 =	vmovc v2;
	v2 =	vmax.f32 v34, v32;
	v3 =	vld [tilespmem:s20+$0x100];
	vm0 =	vmand vm0, vm1;
	v5 =	vsel vm2, $0x1, v4  }
0x60: {  	v28 =	vmovc v33;
	vm1 =	veq.f32 v32, v2;
	v4 =	vld [tilespmem:s20+$0x180];
	[tilespmem:s18+$0x800] =	vst v2;
	v7 =	vsel vm0, $0x0, v5;
	vm0 =	vge.f32 v6, $6.999999880e-01;
	v6 =	vmovc v2  }
0x61: {  	v21 =	vsel vm1, $0xF, v0;
	v5 =	vld [tilespmem:s20+$0x200];
	vm2 =	veq.f32 v28, v6;
	v13 =	vnsel vm0, $0xFFFFFFFF, v7  }
0x62: {  	v2 =	vmovc v10;
	v7 =	vld [tilespmem:s20+$0x280];
	vm1 =	veq.f32 v27, v6;
	v15 =	vnsel vm0, $0xFFFFFFFF, v15;
	v17 =	vsel vm2, $0xE, v21;
	[tilespmem:s17+$0x980] =	vst v13  }
0x63: {  	vm0 =	veq.f32 v26, v6;
	v21 =	vmax.f32 v2, v1;
	v10 =	vld [tilespmem:s20+$0x300];
	v17 =	vsel vm1, $0xD, v17;
	[tilespmem:s17+$0x900] =	vst v15;
	s17 =	smov.u32 s18;
	s18 =	smov.u32 s20  }
0x64: {  	v15 =	vmax.f32 v21, v3;
	vm1 =	veq.f32 v24, v6;
	v13 =	vld [tilespmem:s18+$0x380];
	v21 =	vsel vm0, $0xC, v17  }
0x65: {  	v17 =	vld [tilespmem:s18+$0x400];
	v15 =	vmax.f32 v15, v4;
	vm0 =	veq.f32 v23, v6;
	v25 =	vsel vm1, $0xB, v21  }
0x66: {  	v21 =	vld [tilespmem:s18+$0x480];
	v15 =	vmax.f32 v15, v5;
	vm1 =	veq.f32 v22, v6;
	v29 =	vsel vm0, $0xA, v25  }
0x67: {  	v25 =	vld [tilespmem:s18+$0x500];
	v15 =	vmax.f32 v15, v7;
	vm0 =	veq.f32 v20, v6;
	v30 =	vsel vm1, $0x9, v29  }
0x68: {  	v29 =	vld [tilespmem:s18+$0x580];
	vm1 =	veq.f32 v19, v6;
	v15 =	vmax.f32 v15, v10;
	v31 =	vsel vm0, $0x8, v30  }
0x69: {  	v30 =	vld [tilespmem:s18+$0x600];
	vm0 =	veq.f32 v18, v6;
	v15 =	vmax.f32 v15, v13;
	v44 =	vsel vm1, $0x7, v31  }
0x6a: {  	v31 =	vld [tilespmem:s18+$0x680];
	vm1 =	veq.f32 v16, v6;
	v15 =	vmax.f32 v15, v17;
	v45 =	vsel vm0, $0x6, v44  }
0x6b: {  	v33 =	vld [tilespmem:s18+$0x700];
	vm0 =	veq.f32 v14, v6;
	v15 =	vmax.f32 v15, v21;
	v34 =	vsel vm1, $0x5, v45  }
0x6c: {  	vm1 =	veq.f32 v12, v6;
	v15 =	vmax.f32 v15, v25;
	v34 =	vsel vm0, $0x4, v34  }
0x6d: {  	vm0 =	veq.f32 v11, v6;
	v15 =	vmax.f32 v15, v29;
	v34 =	vsel vm1, $0x3, v34  }
0x6e: {  	vm1 =	veq.f32 v9, v6;
	v15 =	vmax.f32 v15, v30;
	v34 =	vsel vm0, $0x2, v34  }
0x6f: {  	vm0 =	veq.f32 v8, v6;
	v15 =	vmax.f32 v15, v31;
	v46 =	vsel vm1, $0x1, v34  }
0x70: {  	v48 =	vimm.s32 $0x0;
	v34 =	vmax.f32 v15, v33;
	v15 =	vsel vm0, $0x0, v46  }
0x71: {  	v47 =	vmax.f32 v8, $-1.000000000e+00;
	vm0 =	vne.s32 v15, $0x0;
	vm2 =	vne.s32 v15, $0x2  }
0x72: {  	vm3 =	vne.s32 v15, $0x3;
	vm4 =	vne.s32 v15, $0x4;
	vm5 =	vne.s32 v15, $0x5  }
0x73: {  	vm6 =	vne.s32 v15, $0x6;
	vm7 =	vne.s32 v15, $0x7;
	vm8 =	vne.s32 v15, $0x8  }
0x74: {  	vm1 =	veq.s32 v15, $0x1;
	v36 =	vsel vm0, $0xFFFFFFFF, v36;
	vm0 =	vne.s32 v15, $0x1  }
0x75: {  	vm9 =	vne.s32 v15, $0x9;
	[tilespmem:$0x1FFE0] =	vst v36;
	v36 =	vsel vm0, $0xFFFFFFFF, v48;
	vm0 =	veq.s32 v15, $0x0  }
0x76: {  	v49 =	vsel vm1, $0xBF800000, v9;
	v35 =	vsel vm0, $0xBF800000, v47;
	vm0 =	veq.s32 v15, $0x2  }
0x77: {  	v35 =	vmax.f32 v35, v49;
	v50 =	vsel vm0, $0xBF800000, v11;
	vm0 =	veq.s32 v15, $0x3  }
0x78: {  	v35 =	vmax.f32 v35, v50;
	v51 =	vsel vm0, $0xBF800000, v12;
	vm0 =	veq.s32 v15, $0x4  }
0x79: {  	v35 =	vmax.f32 v35, v51;
	v52 =	vsel vm0, $0xBF800000, v14;
	vm0 =	veq.s32 v15, $0x5  }
0x7a: {  	v35 =	vmax.f32 v35, v52;
	v53 =	vsel vm0, $0xBF800000, v16;
	vm0 =	veq.s32 v15, $0x6  }
0x7b: {  	v35 =	vmax.f32 v35, v53;
	v54 =	vsel vm0, $0xBF800000, v18;
	vm0 =	veq.s32 v15, $0x7  }
0x7c: {  	v35 =	vmax.f32 v35, v54;
	v55 =	vsel vm0, $0xBF800000, v19;
	vm0 =	veq.s32 v15, $0x8  }
0x7d: {  	v35 =	vmax.f32 v35, v55;
	v56 =	vsel vm0, $0xBF800000, v20;
	vm0 =	veq.s32 v15, $0x9  }
0x7e: {  	v35 =	vmax.f32 v35, v56;
	v57 =	vsel vm0, $0xBF800000, v22;
	vm0 =	veq.s32 v15, $0xA  }
0x7f: {  	v35 =	vmax.f32 v35, v57;
	v58 =	vsel vm0, $0xBF800000, v23;
	vm0 =	veq.s32 v15, $0xB  }
0x80: {  	p0 =	sne.s32 s19, $0x1C0;
	v35 =	vmax.f32 v35, v58;
	v59 =	vsel vm0, $0xBF800000, v24;
	vm0 =	veq.s32 v15, $0xC  }
.Ltmp0:
0x81: {  	v35 =	vmax.f32 v35, v59;
	v60 =	vsel vm0, $0xBF800000, v26;
	vm0 =	veq.s32 v15, $0xD;
	(pc) =	sbr.rel @p0 .LBB2_2-.Ltmp0, $4  }
0x82: {  	v35 =	vmax.f32 v35, v60;
	v61 =	vsel vm0, $0xBF800000, v27;
	vm0 =	veq.s32 v15, $0xE  }
0x83: {  	v35 =	vmax.f32 v35, v61;
	v62 =	vsel vm0, $0xBF800000, v28;
	vm0 =	veq.s32 v15, $0xF  }
0x84: {  	vm10 =	vne.s32 v15, $0xA;
	v35 =	vmax.f32 v35, v62;
	v63 =	vsel vm0, $0xBF800000, v32  }
0x85: {  	s19 =	sadd.s32 $0x40, s19;
	vm11 =	vne.s32 v15, $0xB;
	vm12 =	vne.s32 v15, $0xC;
	[tilespmem:$0x1FFF0] =	vst v36;
	v35 =	vmax.f32 v35, v63  }
0x86: {  	vm0 =	veq.f32 v32, v35;
	vm1 =	vne.s32 v15, $0xF;
	vm13 =	vne.s32 v15, $0xD  }
0x87: {  	vm14 =	vne.s32 v15, $0xE;
	vm0 =	vmand vm1, vm0;
	vm1 =	veq.f32 v28, v35  }
0x88: {  	vm15 =	veq.f32 v27, v35;
	vm1 =	vmand vm14, vm1;
	v59 =	vsel vm0, $0xF, v0  }
0x89: {  	vm0 =	vmand vm13, vm15;
	vm13 =	veq.f32 v26, v35;
	vm15 =	veq.f32 v23, v35  }
0x8a: {  	v60 =	vsel vm1, $0xE, v59;
	vm1 =	veq.f32 v24, v35;
	vm12 =	vmand vm12, vm13  }
0x8b: {  	[tilespmem:s17+$0x880] =	vst v35;
	v45 =	vld [tilespmem:$0x1FFE0];
	v61 =	vsel vm0, $0xD, v60;
	vm14 =	vmand vm11, vm1;
	vm1 =	vmand vm10, vm15  }
0x8c: {  	v26 =	vld [tilespmem:s18+$0x780];
	vm15 =	veq.f32 v19, v35;
	vm10 =	veq.f32 v14, v35;
	v62 =	vsel vm12, $0xC, v61  }
0x8d: {  	v42 =	vld [tilespmem:$0x1FFF0];
	vm12 =	veq.f32 v22, v35;
	vm11 =	vmand vm7, vm15;
	vm0 =	vmand vm4, vm10  }
0x8e: {  	vm10 =	veq.f32 v11, v35;
	v63 =	vsel vm14, $0xB, v62;
	vm13 =	vmand vm9, vm12  }
0x8f: {  	vm14 =	veq.f32 v20, v35;
	vm12 =	veq.f32 v18, v35;
	vm2 =	vmand vm2, vm10  }
0x90: {  	vm10 =	vnez.u8 v45;
	v24 =	vsel vm1, $0xA, v63;
	vm8 =	vmand vm8, vm14  }
0x91: {  	v28 =	vmax.f32 v34, v26;
	vm1 =	vmand vm6, vm12;
	vm14 =	veq.f32 v16, v35  }
0x92: {  	vm6 =	vnez.u8 v42;
	v27 =	vsel vm13, $0x9, v24;
	vm13 =	veq.f32 v26, v28  }
0x93: {  	vm15 =	veq.f32 v33, v28;
	vm5 =	vmand vm5, vm14;
	v32 =	vsel vm13, $0xF, v0  }
0x94: {  	v19 =	vsel vm8, $0x8, v27;
	vm8 =	veq.f32 v31, v28;
	v16 =	vsel vm15, $0xE, v32  }
0x95: {  	vm9 =	veq.f32 v30, v28;
	vm12 =	veq.f32 v25, v28;
	v16 =	vsel vm8, $0xD, v16  }
0x96: {  	v19 =	vsel vm11, $0x7, v19;
	vm11 =	veq.f32 v29, v28;
	v34 =	vsel vm9, $0xC, v16  }
0x97: {  	vm14 =	veq.f32 v12, v35;
	vm7 =	veq.f32 v1, v28;
	v14 =	vsel vm11, $0xB, v34  }
0x98: {  	vm13 =	veq.f32 v21, v28;
	vm15 =	veq.f32 v17, v28;
	v14 =	vsel vm12, $0xA, v14  }
0x99: {  	v19 =	vsel vm1, $0x6, v19;
	vm1 =	vmand vm3, vm14;
	v37 =	vsel vm13, $0x9, v14  }
0x9a: {  	vm8 =	veq.f32 v13, v28;
	vm14 =	veq.f32 v9, v35;
	v12 =	vsel vm15, $0x8, v37  }
0x9b: {  	v36 =	vsel vm5, $0x5, v19;
	vm9 =	veq.f32 v10, v28;
	v12 =	vsel vm8, $0x7, v12  }
0x9c: {  	v38 =	vsel vm0, $0x4, v36;
	vm11 =	veq.f32 v7, v28;
	v39 =	vsel vm9, $0x6, v12  }
0x9d: {  	vm12 =	veq.f32 v5, v28;
	v40 =	vsel vm1, $0x3, v38;
	v11 =	vsel vm11, $0x5, v39  }
0x9e: {  	vm1 =	vmand vm6, vm14;
	vm13 =	veq.f32 v4, v28;
	v11 =	vsel vm12, $0x4, v11  }
0x9f: {  	v44 =	vsel vm2, $0x2, v40;
	vm15 =	veq.f32 v3, v28;
	v41 =	vsel vm13, $0x3, v11  }
0xa0: {  	vm8 =	veq.f32 v8, v35;
	vm9 =	veq.f32 v2, v28;
	v9 =	vsel vm15, $0x2, v41  }
0xa1: {  	vm0 =	vmand vm10, vm8;
	v43 =	vsel vm7, $0x1, v9;
	v9 =	vsel vm1, $0x1, v44  }
0xa2: {  	v46 =	vmax.f32 v2, $-1.000000000e+00;
	v8 =	vsel vm9, $0x0, v43;
	v9 =	vsel vm0, $0x0, v9  }
0xa3: {  	vm0 =	vge.f32 v6, $6.999999880e-01;
	vm11 =	veq.s32 v8, $0x0;
	vm12 =	veq.s32 v8, $0x1  }
0xa4: {  	vm13 =	veq.s32 v8, $0x2;
	v11 =	vsel vm11, $0xBF800000, v46;
	v47 =	vsel vm12, $0xBF800000, v1  }
0xa5: {  	vm14 =	veq.s32 v8, $0x3;
	v48 =	vsel vm13, $0xBF800000, v3;
	v11 =	vmax.f32 v11, v47  }
0xa6: {  	vm15 =	veq.s32 v8, $0x4;
	v49 =	vsel vm14, $0xBF800000, v4;
	v11 =	vmax.f32 v11, v48  }
0xa7: {  	vm4 =	veq.s32 v8, $0x5;
	v50 =	vsel vm15, $0xBF800000, v5;
	v11 =	vmax.f32 v11, v49  }
0xa8: {  	vm5 =	veq.s32 v8, $0x6;
	v51 =	vsel vm4, $0xBF800000, v7;
	v11 =	vmax.f32 v11, v50  }
0xa9: {  	vm6 =	veq.s32 v8, $0x7;
	v52 =	vsel vm5, $0xBF800000, v10;
	v11 =	vmax.f32 v11, v51  }
0xaa: {  	vm7 =	veq.s32 v8, $0x8;
	v53 =	vsel vm6, $0xBF800000, v13;
	v11 =	vmax.f32 v11, v52  }
0xab: {  	vm8 =	veq.s32 v8, $0x9;
	v54 =	vsel vm7, $0xBF800000, v17;
	v11 =	vmax.f32 v11, v53  }
0xac: {  	vm9 =	veq.s32 v8, $0xA;
	v55 =	vsel vm8, $0xBF800000, v21;
	v11 =	vmax.f32 v11, v54  }
0xad: {  	vm10 =	veq.s32 v8, $0xB;
	v56 =	vsel vm9, $0xBF800000, v25;
	v11 =	vmax.f32 v11, v55  }
0xae: {  	v57 =	vsel vm10, $0xBF800000, v29;
	vm11 =	veq.s32 v8, $0xC;
	v11 =	vmax.f32 v11, v56  }
0xaf: {  	vm12 =	veq.s32 v8, $0xD;
	v58 =	vsel vm11, $0xBF800000, v30;
	v11 =	vmax.f32 v11, v57  }
0xb0: {  	vm13 =	veq.s32 v8, $0xE;
	v59 =	vsel vm12, $0xBF800000, v31;
	v11 =	vmax.f32 v11, v58  }
0xb1: {  	vm14 =	veq.s32 v8, $0xF;
	v60 =	vsel vm13, $0xBF800000, v33;
	v11 =	vmax.f32 v11, v59  }
0xb2: {  	vm8 =	vne.s32 v8, $0xF;
	v61 =	vsel vm14, $0xBF800000, v26;
	v11 =	vmax.f32 v11, v60  }
0xb3: {  	vm4 =	vne.s32 v8, $0xE;
	vm10 =	vne.s32 v8, $0xD;
	v11 =	vmax.f32 v11, v61  }
0xb4: {  	vm12 =	vne.s32 v8, $0xB;
	vm13 =	vne.s32 v8, $0xC;
	vm15 =	veq.f32 v26, v11  }
0xb5: {  	vm9 =	veq.f32 v33, v11;
	vm11 =	veq.f32 v31, v11;
	vm14 =	veq.f32 v30, v11  }
0xb6: {  	vm7 =	veq.f32 v4, v11;
	vm1 =	vmand vm8, vm15;
	vm3 =	vmand vm4, vm9  }
0xb7: {  	vm2 =	vmand vm10, vm11;
	vm15 =	veq.f32 v29, v11;
	vm8 =	vne.s32 v8, $0xA  }
0xb8: {  	vm9 =	veq.f32 v25, v11;
	vm10 =	vne.s32 v8, $0x8;
	vm11 =	vne.s32 v8, $0x9  }
0xb9: {  	v62 =	vsel vm1, $0xF, v0;
	vm1 =	vmand vm12, vm15;
	vm12 =	veq.f32 v21, v11  }
0xba: {  	vm15 =	veq.f32 v13, v11;
	v6 =	vsel vm3, $0xE, v62;
	vm3 =	vmand vm13, vm14  }
0xbb: {  	vm13 =	veq.f32 v17, v11;
	vm14 =	vne.s32 v8, $0x7;
	v6 =	vsel vm2, $0xD, v6  }
0xbc: {  	vm2 =	vmand vm8, vm9;
	vm8 =	vne.s32 v8, $0x5;
	vm9 =	vne.s32 v8, $0x6  }
0xbd: {  	v6 =	vsel vm3, $0xC, v6;
	vm3 =	vmand vm10, vm13;
	vm10 =	veq.f32 v10, v11  }
0xbe: {  	vm13 =	veq.f32 v5, v11;
	v6 =	vsel vm1, $0xB, v6;
	vm1 =	vmand vm11, vm12  }
0xbf: {  	vm11 =	veq.f32 v7, v11;
	vm12 =	vne.s32 v8, $0x4;
	v6 =	vsel vm2, $0xA, v6  }
0xc0: {  	vm2 =	vmand vm14, vm15;
	vm14 =	vne.s32 v8, $0x2;
	v6 =	vsel vm1, $0x9, v6  }
0xc1: {  	vm15 =	vne.s32 v8, $0x3;
	vm1 =	vmand vm8, vm11;
	v6 =	vsel vm3, $0x8, v6  }
0xc2: {  	vm8 =	veq.f32 v3, v11;
	vm3 =	vmand vm9, vm10;
	v6 =	vsel vm2, $0x7, v6  }
0xc3: {  	vm9 =	vne.s32 v8, $0x1;
	vm10 =	veq.f32 v1, v11;
	v63 =	vsel vm3, $0x6, v6  }
0xc4: {  	vm2 =	vmand vm12, vm13;
	vm11 =	vmand vm9, vm10;
	v5 =	vsel vm1, $0x5, v63  }
0xc5: {  	vm13 =	veq.f32 v2, v11;
	vm1 =	vmand vm15, vm7;
	v3 =	vsel vm2, $0x4, v5  }
0xc6: {  	[tilespmem:s18+$0x800] =	vst v28;
	v2 =	vnsel vm0, $0xFFFFFFFF, v15;
	vm3 =	vmand vm14, vm8;
	v1 =	vsel vm1, $0x3, v3  }
0xc7: {  	vm12 =	vne.s32 v8, $0x0;
	[tilespmem:s17+$0x900] =	vst v2;
	v3 =	vnsel vm0, $0xFFFFFFFF, v9;
	v1 =	vsel vm3, $0x2, v1  }
0xc8: {  	vm14 =	vmand vm12, vm13;
	vm15 =	vge.f32 v28, $6.999999880e-01;
	[tilespmem:s17+$0x980] =	vst v3;
	v1 =	vsel vm11, $0x1, v1  }
0xc9: {  	v2 =	vnsel vm15, $0xFFFFFFFF, v8;
	[tilespmem:s18+$0x880] =	vst v11;
	v1 =	vsel vm14, $0x0, v1  }
0xca: {  	[tilespmem:s18+$0x900] =	vst v2;
	v1 =	vnsel vm15, $0xFFFFFFFF, v1  }
0xcb: {  	[tilespmem:s18+$0x980] =	vst v1  }
0xcc: {  	[hbm4b:s4+s2] =	stream.linear.scatter [tilespmem:s12], [sflag:$0x1], $0x80, $0x38;
	[tilespmem:$0xA00] =	vst v63  }
0xcd: {  	_ =	swait.ge [sflag:s11], $0x80  }
0xce: {  	[sflag:s11] =	ssyncset.done $0x0  }
0xcf: {  	[sflag:s11] =	ssyncadd.s32 $0xFFFFFF80  }
0xd0: {  	[hbm4b:s5+s2] =	stream.linear.scatter [tilespmem:s13], [sflag:$0x1], $0x80, $0x38;
	[tilespmem:$0xA00] =	vst v63  }
0xd1: {  	_ =	swait.ge [sflag:s11], $0x80  }
0xd2: {  	[sflag:s11] =	ssyncset.done $0x0  }
0xd3: {  	[sflag:s11] =	ssyncadd.s32 $0xFFFFFF80  }
0xd4: {  	[hbm4b:s6+s2] =	stream.linear.scatter [tilespmem:s14], [sflag:$0x1], $0x80, $0x38;
	[tilespmem:$0xA00] =	vst v63  }
0xd5: {  	s16 =	sadd.s32 $0x1, s16;
	_ =	swait.ge [sflag:s11], $0x80  }
0xd6: {  	p0 =	sne.s32 s16, s8;
	[sflag:s11] =	ssyncset.done $0x0  }
.Ltmp1:
0xd7: {  	[sflag:s11] =	ssyncadd.s32 $0xFFFFFF80;
	(pc) =	sbr.rel @p0 .LBB2_1-.Ltmp1, $4  }
0xd8: {  	[hbm4b:s7+s2] =	stream.linear.scatter [tilespmem:s15], [sflag:$0x1], $0x80, $0x38;
	[tilespmem:$0xA00] =	vst v63  }
0xd9: {  	_ =	swait.ge [sflag:s11], $0x80  }
0xda: {  	[sflag:s11] =	ssyncset.done $0x0  }
0xdb: {  	[sflag:s11] =	ssyncadd.s32 $0xFFFFFF80  }
0xdc: {  	_ =	sfence.sel $0x180000  }
0xdd: {  	[bflag:$0x0] =	sbarrier.arrive $0xFFFF  }
0xde: {  	p0 =	sne.s32 s1, $0x0;
	_ =	strace $0x90000047  }
0xdf: {  	s0 =	sadd.s32 @!p0 $0x100000, s0;
	[bflag:$0x2] =	sbarrier.arrive $0xFFFF  }
0xe0: {  	[sflag:s0] =	ssyncadd.tile.s32 @!p0 $0x1;
	_ =	shalt  }
.Lfunc_end2:
_tile_overlayer_lowered:
.L_overlay_start_2:
0xe1: {  	(tag) =	ssettag $0x2  }
0xe2: {  	s0 =	rddreg [dreg:$0x0];
	s2 =	stileid.u32  }
0xe3: {  	s1 =	rddreg [dreg:$0x1];
	p0 =	sne.s32 s2, $0x0  }
0xe4: {  	s3 =	rddreg [dreg:$0x2];
	[bflag:$0x3] =	sbarrier.arrive $0xFFFF;
	s2 =	simm.s32 @!p0 $0x1C01  }
0xe5: {  	[timem:s3], [sflag:s2] =	dma.local @!p0 [hbm:s0], s1  }
0xe6: {  	s0 =	simm.s32 @!p0 $0x1  }
0xe7: {  	_ =	swait.ge @!p0 [sflag:s0], s1  }
0xe8: {  	s1 =	ssub.s32 @!p0 $0x0, s1;
	[sflag:s0] =	ssyncset.done @!p0 $0x0  }
0xe9: {  	[sflag:s0] =	ssyncadd.s32 @!p0 s1  }
0xea: {  	[bflag:$0x3] =	sbarrier.arrive $0xFFFF  }
0xeb: {  	_ =	shalt  }

</sc_bundles>
